<compile_context>
chip_gen: v7x
topology: tpu7x:2x2x1
jax: 0.10.2.dev20260603
libtpu: 0.0.44.dev20260713+nightly
codegen_flags: <defaults>
</compile_context>

<pallas_src>
import functools

import jax
import jax.numpy as jnp
from jax import lax
from jax.experimental import pallas as pl
from jax.experimental.pallas import tpu as pltpu
from jax.experimental.pallas import tpu_sc as plsc

B = 16
S = 4096
C = 1024
L = 16
NS = 16
HALF = C // 2
R = 32
NBUF = 4
CB = HALF // L


def _sc_body(value_h, sent_h, out_h, buf, acc, sentv, invv, tmp, obuf,
             shared, sem):
    c = lax.axis_index("c")
    s = lax.axis_index("s")
    ch0 = c * HALF

    pltpu.sync_copy(sent_h, sentv)
    lens = sentv[...]
    invv[...] = 1.0 / lens.astype(jnp.float32)
    csum = plsc.cumsum(lens)
    off = csum - lens
    total = jnp.sum(lens)
    chunk = (total + NS - 1) // NS
    start = s * chunk
    end = jnp.minimum(start + chunk, total)

    iota = lax.iota(jnp.int32, L)

    def ext(v, j):
        return jnp.sum(jnp.where(iota == j, v, 0))

    def dma_start(j, r0, q):
        pltpu.async_copy(value_h.at[j, pl.ds(r0, R), pl.ds(ch0, HALF)],
                         buf.at[q], sem.at[q])

    def dma_wait(j, q):
        pltpu.make_async_copy(value_h.at[j, pl.ds(0, R), pl.ds(ch0, HALF)],
                              buf.at[q], sem.at[q]).wait()

    zeros16 = jnp.zeros((L,), jnp.float32)

    def batch_body(j, carry):
        oj = ext(off, j)
        lj = ext(lens, j)
        lo = jnp.maximum(start - oj, 0)
        hi = jnp.minimum(end - oj, lj)
        lo8 = (lo // 8) * 8
        n = jnp.where(hi > lo, hi - lo8, 0)
        nch = (n + R - 1) // R

        for q in range(NBUF - 1):
            @pl.when(q < nch)
            def _(q=q):
                dma_start(j, lo8 + q * R, q)

        def chunk_body(i, vecs):
            p = i % NBUF

            @pl.when(i + (NBUF - 1) < nch)
            def _():
                dma_start(j, lo8 + (i + NBUF - 1) * R, (i + NBUF - 1) % NBUF)

            dma_wait(j, p)
            r0 = lo8 + i * R
            a = jnp.maximum(lo - r0, 0)
            b2 = jnp.minimum(hi - r0, R)

            def row_body(k, vecs2):
                return tuple(vecs2[cc] + buf[p, k, pl.ds(cc * L, L)]
                             for cc in range(CB))

            return lax.fori_loop(a, b2, row_body, vecs)

        vecs = lax.fori_loop(0, nch, chunk_body,
                             tuple(zeros16 for _ in range(CB)))
        for cc in range(CB):
            acc[j, pl.ds(cc * L, L)] = vecs[cc]
        return carry

    lax.fori_loop(0, B, batch_body, 0)

    pltpu.sync_copy(acc, shared.at[s])
    plsc.subcore_barrier()

    pltpu.sync_copy(shared.at[0, s], obuf)

    def red_body(w, carry):
        pltpu.sync_copy(shared.at[w, s], tmp)

        def add_body(i, carry2):
            obuf[pl.ds(i * L, L)] = obuf[pl.ds(i * L, L)] + tmp[pl.ds(i * L, L)]
            return carry2

        lax.fori_loop(0, CB, add_body, 0)
        return carry

    lax.fori_loop(1, NS, red_body, 0)

    invs = plsc.load_gather(invv, [jnp.full((L,), s, jnp.int32)])

    def mul_body(i, carry):
        obuf[pl.ds(i * L, L)] = obuf[pl.ds(i * L, L)] * invs
        return carry

    lax.fori_loop(0, CB, mul_body, 0)
    pltpu.sync_copy(obuf, out_h.at[s, 0, pl.ds(ch0, HALF)])


_mean_sc = functools.partial(
    pl.kernel,
    out_type=jax.ShapeDtypeStruct((B, 1, C), jnp.float32),
    mesh=plsc.VectorSubcoreMesh(core_axis_name="c", subcore_axis_name="s"),
    compiler_params=pltpu.CompilerParams(needs_layout_passes=False),
    scratch_types=[
        pltpu.VMEM((NBUF, R, HALF), jnp.float32),
        pltpu.VMEM((B, HALF), jnp.float32),
        pltpu.VMEM((L,), jnp.int32),
        pltpu.VMEM((L,), jnp.float32),
        pltpu.VMEM((HALF,), jnp.float32),
        pltpu.VMEM((HALF,), jnp.float32),
        pltpu.VMEM_SHARED((NS, B, HALF), jnp.float32),
        pltpu.SemaphoreType.DMA((NBUF,)),
    ],
)(_sc_body)


def kernel(value, sent_len):
    return _mean_sc(value, sent_len)

# --- scband reference (transcript-rebuilt; emitter-appended) ---
"""Pipeline reference for scband-mean-23046794510678 (READ-ONLY COPY).

The authoritative reference and input builder live on the scoring server;
editing this copy changes nothing except your own understanding.
"""

import jax, jax.numpy as jnp
import numpy as np


def setup_inputs(seed: int = 0) -> dict:
    key = jax.random.key(seed)
    k1, k2 = jax.random.split(key)
    value = jax.random.normal(k1, (16, 4096, 1024), dtype=jnp.float32)
    # sent_len in [1, 4096] so every sequence has at least one valid token
    sent_len = jax.random.randint(k2, (16,), 1, 4097, dtype=jnp.int32)
    return {"value": value, "sent_len": sent_len}


def reference(value, sent_len):
    # Faithful translation of Mean.encode_words: for each sequence in the
    # batch, mean-pool over the first sent_len[i] timesteps, then reshape
    # to (-1, 1, output_size). Implemented as a masked mean (vectorized
    # equivalent of the per-sentence split + torch.mean loop).
    B, S, C = value.shape
    mask = (jnp.arange(S)[None, :] < sent_len[:, None]).astype(value.dtype)  # [B, S]
    summed = jnp.sum(value * mask[:, :, None], axis=1)  # [B, C]
    mean = summed / sent_len.astype(value.dtype)[:, None]  # [B, C]
    return mean.reshape(B, 1, C)

if __name__ == "__main__":
    import jax
    _d = setup_inputs()
    print(jax.jit(kernel)(*tuple(_d.values())))

</pallas_src>

<mosaic_0001>
#map = affine_map<(d0, d1) -> (0, 0, 0)>
#map1 = affine_map<(d0, d1) -> (0)>
module attributes {stable_mosaic.version = 14 : i64} {
  func.func @_sc_body(%arg0: i32, %arg1: i32, %arg2: memref<16x4096x1024xf32, #tpu.memory_space<hbm>>, %arg3: memref<16xi32, #tpu.memory_space<hbm>>, %arg4: memref<16x1x1024xf32, #tpu.memory_space<hbm>>, %arg5: memref<4x32x512xf32, #tpu.memory_space<vmem>>, %arg6: memref<16x512xf32, #tpu.memory_space<vmem>>, %arg7: memref<16xi32, #tpu.memory_space<vmem>>, %arg8: memref<16xf32, #tpu.memory_space<vmem>>, %arg9: memref<512xf32, #tpu.memory_space<vmem>>, %arg10: memref<512xf32, #tpu.memory_space<vmem>>, %arg11: memref<16x16x512xf32, #tpu.memory_space<vmem_shared>>, %arg12: memref<4x!tpu.dma_semaphore, #tpu.memory_space<semaphore_mem>>) attributes {dimension_semantics = [#tpu.dimension_semantics<core_parallel>, #tpu.dimension_semantics<subcore_parallel>], iteration_bounds = array<i64: 2, 16>, scalar_prefetch = 0 : i64, scratch_operands = 8 : i64, tpu.core_type = #tpu.core_type<sc_vector_subcore>, window_params = [{transform_indices = #map}, {transform_indices = #map1}, {transform_indices = #map}]} {
    %mul3A = arith.constant 512 : i32
    %mul3A_0 = arith.muli %arg0, %mul3A : i32
    "tpu.region"() ({
      %run_scoped3A_53 = tpu.sem_alloc : memref<!tpu.dma_semaphore, #tpu.memory_space<semaphore_mem>>
      tpu.enqueue_dma source(%arg3 : memref<16xi32, #tpu.memory_space<hbm>>) target(%arg7 : memref<16xi32, #tpu.memory_space<vmem>>) target_semaphore(%run_scoped3A_53 : memref<!tpu.dma_semaphore, #tpu.memory_space<semaphore_mem>>)
      tpu.wait_dma2 semaphore(%run_scoped3A_53 : memref<!tpu.dma_semaphore, #tpu.memory_space<semaphore_mem>>) src(%arg3 : memref<16xi32, #tpu.memory_space<hbm>>) dst(%arg7 : memref<16xi32, #tpu.memory_space<vmem>>)
      tpu.yield
    }) : () -> ()
    %get3A = arith.constant 0 : index
    %get3A_1 = tpu.vector_load %arg7[%get3A] {strides = array<i32>} : memref<16xi32, #tpu.memory_space<vmem>>, vector<16xi32>,
    %convert_element_type3A = arith.sitofp %get3A_1 : vector<16xi32> to vector<16xf32>
    %div3A = arith.constant 1.000000e+00 : f32
    %div3A_2 = vector.broadcast %div3A : f32 to vector<16xf32>
    %div3A_3 = arith.divf %div3A_2, %convert_element_type3A : vector<16xf32>
    %swap3A = arith.constant 0 : index
    %swap3A_4 = tpu.vector_load %arg8[%swap3A] {strides = array<i32>} : memref<16xf32, #tpu.memory_space<vmem>>, vector<16xf32>,
    tpu.vector_store %arg8[%swap3A], %div3A_3 {strides = array<i32>} : memref<16xf32, #tpu.memory_space<vmem>>, vector<16xf32>,
    %broadcast_in_dim3A = arith.constant true
    %broadcast_in_dim3A_5 = vector.broadcast %broadcast_in_dim3A : i1 to vector<16xi1>
    %masked_cumsum3A = tpu.scan <sum>, %get3A_1 masked %broadcast_in_dim3A_5 : vector<16xi32>, vector<16xi1> -> vector<16xi32>
    %sub3A = arith.subi %masked_cumsum3A, %get3A_1 : vector<16xi32>
    %reduce_sum3A = arith.constant true
    %reduce_sum3A_6 = vector.broadcast %reduce_sum3A : i1 to vector<16xi1>
    %reduce_sum3A_7 = tpu.scan <sum>, %get3A_1 masked %reduce_sum3A_6 : vector<16xi32>, vector<16xi1> -> vector<16xi32>
    %reduce_sum3A_8 = vector.extract %reduce_sum3A_7[15] : i32 from vector<16xi32>
    %add3A = arith.constant 16 : i32
    %add3A_9 = arith.addi %reduce_sum3A_8, %add3A : i32
    %sub3A_10 = arith.constant 1 : i32
    %sub3A_11 = arith.subi %add3A_9, %sub3A_10 : i32
    %jit3A = arith.constant 16 : i32
    %div3A_12 = arith.divsi %sub3A_11, %jit3A : i32
    %sign3A = arith.constant 0 : i32
    %sign3A_13 = arith.cmpi sgt, %sub3A_11, %sign3A : i32
    %sign3A_14 = arith.extui %sign3A_13 : i1 to i32
    %sign3A_15 = arith.constant 0 : i32
    %sign3A_16 = arith.cmpi slt, %sub3A_11, %sign3A_15 : i32
    %sign3A_17 = arith.extui %sign3A_16 : i1 to i32
    %sign3A_18 = arith.subi %sign3A_14, %sign3A_17 : i32
    %sign3A_19 = arith.constant 0 : i32
    %sign3A_20 = arith.cmpi sgt, %jit3A, %sign3A_19 : i32
    %sign3A_21 = arith.extui %sign3A_20 : i1 to i32
    %sign3A_22 = arith.constant 0 : i32
    %sign3A_23 = arith.cmpi slt, %jit3A, %sign3A_22 : i32
    %sign3A_24 = arith.extui %sign3A_23 : i1 to i32
    %sign3A_25 = arith.subi %sign3A_21, %sign3A_24 : i32
    %ne3A = arith.cmpi ne, %sign3A_18, %sign3A_25 : i32
    %rem3A = arith.remsi %sub3A_11, %jit3A : i32
    %ne3A_26 = arith.constant 0 : i32
    %ne3A_27 = arith.cmpi ne, %rem3A, %ne3A_26 : i32
    %and3A = arith.andi %ne3A, %ne3A_27 : i1
    %sub3A_28 = arith.constant 1 : i32
    %sub3A_29 = arith.subi %div3A_12, %sub3A_28 : i32
    %select_n3A = arith.select %and3A, %sub3A_29, %div3A_12 : i32
    %mul3A_30 = arith.muli %arg1, %select_n3A : i32
    %add3A_31 = arith.addi %mul3A_30, %select_n3A : i32
    %min3A = arith.minsi %add3A_31, %reduce_sum3A_8 : i32
    %iota3A = tpu.iota {dimensions = array<i32: 0>} : vector<16xi32>
    %broadcast_in_dim3A_32 = arith.constant 0.000000e+00 : f32
    %broadcast_in_dim3A_33 = vector.broadcast %broadcast_in_dim3A_32 : f32 to vector<16xf32>
    %scan3A = arith.constant 0 : i32
    %scan3A_34 = arith.constant 0 : i32
    %scan3A_35 = arith.constant 16 : i32
    %scan3A_36 = arith.addi %scan3A_34, %scan3A_35 : i32
    %scan3A_37 = arith.constant 1 : i32
    scf.for %scan3A_53 = %scan3A_34 to %scan3A_36 step %scan3A_37  : i32 {
      %eq3A = vector.broadcast %scan3A_53 : i32 to vector<16xi32>
      %eq3A_54 = arith.cmpi eq, %iota3A, %eq3A : vector<16xi32>
      %jit3A_55 = arith.constant 0 : i32
      %broadcast_in_dim3A_56 = vector.broadcast %jit3A_55 : i32 to vector<16xi32>
      %select_n3A_57 = arith.select %eq3A_54, %sub3A, %broadcast_in_dim3A_56 : vector<16xi1>, vector<16xi32>
      %reduce_sum3A_58 = arith.constant true
      %reduce_sum3A_59 = vector.broadcast %reduce_sum3A_58 : i1 to vector<16xi1>
      %reduce_sum3A_60 = tpu.scan <sum>, %select_n3A_57 masked %reduce_sum3A_59 : vector<16xi32>, vector<16xi1> -> vector<16xi32>
      %reduce_sum3A_61 = vector.extract %reduce_sum3A_60[15] : i32 from vector<16xi32>
      %eq3A_62 = vector.broadcast %scan3A_53 : i32 to vector<16xi32>
      %eq3A_63 = arith.cmpi eq, %iota3A, %eq3A_62 : vector<16xi32>
      %jit3A_64 = arith.constant 0 : i32
      %broadcast_in_dim3A_65 = vector.broadcast %jit3A_64 : i32 to vector<16xi32>
      %select_n3A_66 = arith.select %eq3A_63, %get3A_1, %broadcast_in_dim3A_65 : vector<16xi1>, vector<16xi32>
      %reduce_sum3A_67 = arith.constant true
      %reduce_sum3A_68 = vector.broadcast %reduce_sum3A_67 : i1 to vector<16xi1>
      %reduce_sum3A_69 = tpu.scan <sum>, %select_n3A_66 masked %reduce_sum3A_68 : vector<16xi32>, vector<16xi1> -> vector<16xi32>
      %reduce_sum3A_70 = vector.extract %reduce_sum3A_69[15] : i32 from vector<16xi32>
      %sub3A_71 = arith.subi %mul3A_30, %reduce_sum3A_61 : i32
      %max3A = arith.constant 0 : i32
      %max3A_72 = arith.maxsi %sub3A_71, %max3A : i32
      %sub3A_73 = arith.subi %min3A, %reduce_sum3A_61 : i32
      %min3A_74 = arith.minsi %sub3A_73, %reduce_sum3A_70 : i32
      %jit3A_75 = arith.constant 8 : i32
      %div3A_76 = arith.divsi %max3A_72, %jit3A_75 : i32
      %sign3A_77 = arith.constant 0 : i32
      %sign3A_78 = arith.cmpi sgt, %max3A_72, %sign3A_77 : i32
      %sign3A_79 = arith.extui %sign3A_78 : i1 to i32
      %sign3A_80 = arith.constant 0 : i32
      %sign3A_81 = arith.cmpi slt, %max3A_72, %sign3A_80 : i32
      %sign3A_82 = arith.extui %sign3A_81 : i1 to i32
      %sign3A_83 = arith.subi %sign3A_79, %sign3A_82 : i32
      %sign3A_84 = arith.constant 0 : i32
      %sign3A_85 = arith.cmpi sgt, %jit3A_75, %sign3A_84 : i32
      %sign3A_86 = arith.extui %sign3A_85 : i1 to i32
      %sign3A_87 = arith.constant 0 : i32
      %sign3A_88 = arith.cmpi slt, %jit3A_75, %sign3A_87 : i32
      %sign3A_89 = arith.extui %sign3A_88 : i1 to i32
      %sign3A_90 = arith.subi %sign3A_86, %sign3A_89 : i32
      %ne3A_91 = arith.cmpi ne, %sign3A_83, %sign3A_90 : i32
      %rem3A_92 = arith.remsi %max3A_72, %jit3A_75 : i32
      %ne3A_93 = arith.constant 0 : i32
      %ne3A_94 = arith.cmpi ne, %rem3A_92, %ne3A_93 : i32
      %and3A_95 = arith.andi %ne3A_91, %ne3A_94 : i1
      %sub3A_96 = arith.constant 1 : i32
      %sub3A_97 = arith.subi %div3A_76, %sub3A_96 : i32
      %select_n3A_98 = arith.select %and3A_95, %sub3A_97, %div3A_76 : i32
      %mul3A_99 = arith.constant 8 : i32
      %mul3A_100 = arith.muli %select_n3A_98, %mul3A_99 : i32
      %gt3A = arith.cmpi sgt, %min3A_74, %max3A_72 : i32
      %sub3A_101 = arith.subi %min3A_74, %mul3A_100 : i32
      %jit3A_102 = arith.constant 0 : i32
      %select_n3A_103 = arith.select %gt3A, %sub3A_101, %jit3A_102 : i32
      %add3A_104 = arith.constant 32 : i32
      %add3A_105 = arith.addi %select_n3A_103, %add3A_104 : i32
      %sub3A_106 = arith.constant 1 : i32
      %sub3A_107 = arith.subi %add3A_105, %sub3A_106 : i32
      %jit3A_108 = arith.constant 32 : i32
      %div3A_109 = arith.divsi %sub3A_107, %jit3A_108 : i32
      %sign3A_110 = arith.constant 0 : i32
      %sign3A_111 = arith.cmpi sgt, %sub3A_107, %sign3A_110 : i32
      %sign3A_112 = arith.extui %sign3A_111 : i1 to i32
      %sign3A_113 = arith.constant 0 : i32
      %sign3A_114 = arith.cmpi slt, %sub3A_107, %sign3A_113 : i32
      %sign3A_115 = arith.extui %sign3A_114 : i1 to i32
      %sign3A_116 = arith.subi %sign3A_112, %sign3A_115 : i32
      %sign3A_117 = arith.constant 0 : i32
      %sign3A_118 = arith.cmpi sgt, %jit3A_108, %sign3A_117 : i32
      %sign3A_119 = arith.extui %sign3A_118 : i1 to i32
      %sign3A_120 = arith.constant 0 : i32
      %sign3A_121 = arith.cmpi slt, %jit3A_108, %sign3A_120 : i32
      %sign3A_122 = arith.extui %sign3A_121 : i1 to i32
      %sign3A_123 = arith.subi %sign3A_119, %sign3A_122 : i32
      %ne3A_124 = arith.cmpi ne, %sign3A_116, %sign3A_123 : i32
      %rem3A_125 = arith.remsi %sub3A_107, %jit3A_108 : i32
      %ne3A_126 = arith.constant 0 : i32
      %ne3A_127 = arith.cmpi ne, %rem3A_125, %ne3A_126 : i32
      %and3A_128 = arith.andi %ne3A_124, %ne3A_127 : i1
      %sub3A_129 = arith.constant 1 : i32
      %sub3A_130 = arith.subi %div3A_109, %sub3A_129 : i32
      %select_n3A_131 = arith.select %and3A_128, %sub3A_130, %div3A_109 : i32
      %gt3A_132 = arith.constant 0 : i32
      %gt3A_133 = arith.cmpi sgt, %select_n3A_131, %gt3A_132 : i32
      %convert_element_type3A_134 = arith.extui %gt3A_133 : i1 to i32
      %cond3A = arith.constant 0 : i32
      %cond3A_135 = arith.cmpi ne, %convert_element_type3A_134, %cond3A : i32
      scf.if %cond3A_135 {
        %add3A_252 = arith.constant 0 : i32
        %add3A_253 = arith.addi %mul3A_100, %add3A_252 : i32
        %dma_start3A = arith.constant 0 : i32
        %dma_start3A_254 = arith.constant 0 : i32
        %dma_start3A_255 = arith.constant 0 : i32
        %dma_start3A_256 = arith.constant 0 : i32
        %dma_start3A_257 = tpu.memref_slice %arg5[%dma_start3A, %dma_start3A_255, %dma_start3A_256] : memref<4x32x512xf32, #tpu.memory_space<vmem>> -> memref<1x32x512xf32, #tpu.memory_space<vmem>>
        %dma_start3A_258 = tpu.memref_squeeze %dma_start3A_257 : memref<1x32x512xf32, #tpu.memory_space<vmem>> -> memref<32x512xf32, #tpu.memory_space<vmem>>
        %dma_start3A_259 = tpu.memref_slice %arg2[%scan3A_53, %add3A_253, %mul3A_0] : memref<16x4096x1024xf32, #tpu.memory_space<hbm>> -> memref<1x32x512xf32, #tpu.memory_space<hbm>>
        %dma_start3A_260 = tpu.memref_squeeze %dma_start3A_259 : memref<1x32x512xf32, #tpu.memory_space<hbm>> -> memref<32x512xf32, #tpu.memory_space<hbm>>
        %dma_start3A_261 = tpu.memref_slice %arg12[%dma_start3A_254] : memref<4x!tpu.dma_semaphore, #tpu.memory_space<semaphore_mem>> -> memref<1x!tpu.dma_semaphore, #tpu.memory_space<semaphore_mem>>
        %dma_start3A_262 = tpu.memref_squeeze %dma_start3A_261 : memref<1x!tpu.dma_semaphore, #tpu.memory_space<semaphore_mem>> -> memref<!tpu.dma_semaphore, #tpu.memory_space<semaphore_mem>>
        %dma_start3A_263 = arith.constant 0 : i32
        %dma_start3A_264 = arith.constant 0 : i32
        %dma_start3A_265 = tpu.memref_slice %arg5[%dma_start3A, %dma_start3A_263, %dma_start3A_264] : memref<4x32x512xf32, #tpu.memory_space<vmem>> -> memref<1x32x512xf32, #tpu.memory_space<vmem>>
        %dma_start3A_266 = tpu.memref_squeeze %dma_start3A_265 : memref<1x32x512xf32, #tpu.memory_space<vmem>> -> memref<32x512xf32, #tpu.memory_space<vmem>>
        %dma_start3A_267 = tpu.memref_slice %arg2[%scan3A_53, %add3A_253, %mul3A_0] : memref<16x4096x1024xf32, #tpu.memory_space<hbm>> -> memref<1x32x512xf32, #tpu.memory_space<hbm>>
        %dma_start3A_268 = tpu.memref_squeeze %dma_start3A_267 : memref<1x32x512xf32, #tpu.memory_space<hbm>> -> memref<32x512xf32, #tpu.memory_space<hbm>>
        tpu.enqueue_dma source(%dma_start3A_268 : memref<32x512xf32, #tpu.memory_space<hbm>>) target(%dma_start3A_266 : memref<32x512xf32, #tpu.memory_space<vmem>>) target_semaphore(%dma_start3A_262 : memref<!tpu.dma_semaphore, #tpu.memory_space<semaphore_mem>>)
      } else {
      }
      %gt3A_136 = arith.constant 1 : i32
      %gt3A_137 = arith.cmpi sgt, %select_n3A_131, %gt3A_136 : i32
      %convert_element_type3A_138 = arith.extui %gt3A_137 : i1 to i32
      %cond3A_139 = arith.constant 0 : i32
      %cond3A_140 = arith.cmpi ne, %convert_element_type3A_138, %cond3A_139 : i32
      scf.if %cond3A_140 {
        %add3A_252 = arith.constant 32 : i32
        %add3A_253 = arith.addi %mul3A_100, %add3A_252 : i32
        %dma_start3A = arith.constant 1 : i32
        %dma_start3A_254 = arith.constant 1 : i32
        %dma_start3A_255 = arith.constant 0 : i32
        %dma_start3A_256 = arith.constant 0 : i32
        %dma_start3A_257 = tpu.memref_slice %arg5[%dma_start3A, %dma_start3A_255, %dma_start3A_256] : memref<4x32x512xf32, #tpu.memory_space<vmem>> -> memref<1x32x512xf32, #tpu.memory_space<vmem>>
        %dma_start3A_258 = tpu.memref_squeeze %dma_start3A_257 : memref<1x32x512xf32, #tpu.memory_space<vmem>> -> memref<32x512xf32, #tpu.memory_space<vmem>>
        %dma_start3A_259 = tpu.memref_slice %arg2[%scan3A_53, %add3A_253, %mul3A_0] : memref<16x4096x1024xf32, #tpu.memory_space<hbm>> -> memref<1x32x512xf32, #tpu.memory_space<hbm>>
        %dma_start3A_260 = tpu.memref_squeeze %dma_start3A_259 : memref<1x32x512xf32, #tpu.memory_space<hbm>> -> memref<32x512xf32, #tpu.memory_space<hbm>>
        %dma_start3A_261 = tpu.memref_slice %arg12[%dma_start3A_254] : memref<4x!tpu.dma_semaphore, #tpu.memory_space<semaphore_mem>> -> memref<1x!tpu.dma_semaphore, #tpu.memory_space<semaphore_mem>>
        %dma_start3A_262 = tpu.memref_squeeze %dma_start3A_261 : memref<1x!tpu.dma_semaphore, #tpu.memory_space<semaphore_mem>> -> memref<!tpu.dma_semaphore, #tpu.memory_space<semaphore_mem>>
        %dma_start3A_263 = arith.constant 0 : i32
        %dma_start3A_264 = arith.constant 0 : i32
        %dma_start3A_265 = tpu.memref_slice %arg5[%dma_start3A, %dma_start3A_263, %dma_start3A_264] : memref<4x32x512xf32, #tpu.memory_space<vmem>> -> memref<1x32x512xf32, #tpu.memory_space<vmem>>
        %dma_start3A_266 = tpu.memref_squeeze %dma_start3A_265 : memref<1x32x512xf32, #tpu.memory_space<vmem>> -> memref<32x512xf32, #tpu.memory_space<vmem>>
        %dma_start3A_267 = tpu.memref_slice %arg2[%scan3A_53, %add3A_253, %mul3A_0] : memref<16x4096x1024xf32, #tpu.memory_space<hbm>> -> memref<1x32x512xf32, #tpu.memory_space<hbm>>
        %dma_start3A_268 = tpu.memref_squeeze %dma_start3A_267 : memref<1x32x512xf32, #tpu.memory_space<hbm>> -> memref<32x512xf32, #tpu.memory_space<hbm>>
        tpu.enqueue_dma source(%dma_start3A_268 : memref<32x512xf32, #tpu.memory_space<hbm>>) target(%dma_start3A_266 : memref<32x512xf32, #tpu.memory_space<vmem>>) target_semaphore(%dma_start3A_262 : memref<!tpu.dma_semaphore, #tpu.memory_space<semaphore_mem>>)
      } else {
      }
      %gt3A_141 = arith.constant 2 : i32
      %gt3A_142 = arith.cmpi sgt, %select_n3A_131, %gt3A_141 : i32
      %convert_element_type3A_143 = arith.extui %gt3A_142 : i1 to i32
      %cond3A_144 = arith.constant 0 : i32
      %cond3A_145 = arith.cmpi ne, %convert_element_type3A_143, %cond3A_144 : i32
      scf.if %cond3A_145 {
        %add3A_252 = arith.constant 64 : i32
        %add3A_253 = arith.addi %mul3A_100, %add3A_252 : i32
        %dma_start3A = arith.constant 2 : i32
        %dma_start3A_254 = arith.constant 2 : i32
        %dma_start3A_255 = arith.constant 0 : i32
        %dma_start3A_256 = arith.constant 0 : i32
        %dma_start3A_257 = tpu.memref_slice %arg5[%dma_start3A, %dma_start3A_255, %dma_start3A_256] : memref<4x32x512xf32, #tpu.memory_space<vmem>> -> memref<1x32x512xf32, #tpu.memory_space<vmem>>
        %dma_start3A_258 = tpu.memref_squeeze %dma_start3A_257 : memref<1x32x512xf32, #tpu.memory_space<vmem>> -> memref<32x512xf32, #tpu.memory_space<vmem>>
        %dma_start3A_259 = tpu.memref_slice %arg2[%scan3A_53, %add3A_253, %mul3A_0] : memref<16x4096x1024xf32, #tpu.memory_space<hbm>> -> memref<1x32x512xf32, #tpu.memory_space<hbm>>
        %dma_start3A_260 = tpu.memref_squeeze %dma_start3A_259 : memref<1x32x512xf32, #tpu.memory_space<hbm>> -> memref<32x512xf32, #tpu.memory_space<hbm>>
        %dma_start3A_261 = tpu.memref_slice %arg12[%dma_start3A_254] : memref<4x!tpu.dma_semaphore, #tpu.memory_space<semaphore_mem>> -> memref<1x!tpu.dma_semaphore, #tpu.memory_space<semaphore_mem>>
        %dma_start3A_262 = tpu.memref_squeeze %dma_start3A_261 : memref<1x!tpu.dma_semaphore, #tpu.memory_space<semaphore_mem>> -> memref<!tpu.dma_semaphore, #tpu.memory_space<semaphore_mem>>
        %dma_start3A_263 = arith.constant 0 : i32
        %dma_start3A_264 = arith.constant 0 : i32
        %dma_start3A_265 = tpu.memref_slice %arg5[%dma_start3A, %dma_start3A_263, %dma_start3A_264] : memref<4x32x512xf32, #tpu.memory_space<vmem>> -> memref<1x32x512xf32, #tpu.memory_space<vmem>>
        %dma_start3A_266 = tpu.memref_squeeze %dma_start3A_265 : memref<1x32x512xf32, #tpu.memory_space<vmem>> -> memref<32x512xf32, #tpu.memory_space<vmem>>
        %dma_start3A_267 = tpu.memref_slice %arg2[%scan3A_53, %add3A_253, %mul3A_0] : memref<16x4096x1024xf32, #tpu.memory_space<hbm>> -> memref<1x32x512xf32, #tpu.memory_space<hbm>>
        %dma_start3A_268 = tpu.memref_squeeze %dma_start3A_267 : memref<1x32x512xf32, #tpu.memory_space<hbm>> -> memref<32x512xf32, #tpu.memory_space<hbm>>
        tpu.enqueue_dma source(%dma_start3A_268 : memref<32x512xf32, #tpu.memory_space<hbm>>) target(%dma_start3A_266 : memref<32x512xf32, #tpu.memory_space<vmem>>) target_semaphore(%dma_start3A_262 : memref<!tpu.dma_semaphore, #tpu.memory_space<semaphore_mem>>)
      } else {
      }
      %while3A = arith.constant 0 : i32
      %while3A_146 = arith.subi %select_n3A_131, %while3A : i32
      %while3A_147 = arith.addi %while3A, %while3A_146 : i32
      %while3A_148 = arith.constant 1 : i32
      %while3A_149 = arith.divsi %while3A_146, %while3A_148 : i32
      %while3A_150 = arith.muli %while3A_149, %while3A_148 : i32
      %while3A_151 = arith.addi %while3A, %while3A_150 : i32
      %while3A_152 = arith.constant 1 : i32
      %while3A_153:32 = scf.for %while3A_252 = %while3A to %while3A_151 step %while3A_152 iter_args(%while3A_253 = %broadcast_in_dim3A_33, %while3A_254 = %broadcast_in_dim3A_33, %while3A_255 = %broadcast_in_dim3A_33, %while3A_256 = %broadcast_in_dim3A_33, %while3A_257 = %broadcast_in_dim3A_33, %while3A_258 = %broadcast_in_dim3A_33, %while3A_259 = %broadcast_in_dim3A_33, %while3A_260 = %broadcast_in_dim3A_33, %while3A_261 = %broadcast_in_dim3A_33, %while3A_262 = %broadcast_in_dim3A_33, %while3A_263 = %broadcast_in_dim3A_33, %while3A_264 = %broadcast_in_dim3A_33, %while3A_265 = %broadcast_in_dim3A_33, %while3A_266 = %broadcast_in_dim3A_33, %while3A_267 = %broadcast_in_dim3A_33, %while3A_268 = %broadcast_in_dim3A_33, %while3A_269 = %broadcast_in_dim3A_33, %while3A_270 = %broadcast_in_dim3A_33, %while3A_271 = %broadcast_in_dim3A_33, %while3A_272 = %broadcast_in_dim3A_33, %while3A_273 = %broadcast_in_dim3A_33, %while3A_274 = %broadcast_in_dim3A_33, %while3A_275 = %broadcast_in_dim3A_33, %while3A_276 = %broadcast_in_dim3A_33, %while3A_277 = %broadcast_in_dim3A_33, %while3A_278 = %broadcast_in_dim3A_33, %while3A_279 = %broadcast_in_dim3A_33, %while3A_280 = %broadcast_in_dim3A_33, %while3A_281 = %broadcast_in_dim3A_33, %while3A_282 = %broadcast_in_dim3A_33, %while3A_283 = %broadcast_in_dim3A_33, %while3A_284 = %broadcast_in_dim3A_33) -> (vector<16xf32>, vector<16xf32>, vector<16xf32>, vector<16xf32>, vector<16xf32>, vector<16xf32>, vector<16xf32>, vector<16xf32>, vector<16xf32>, vector<16xf32>, vector<16xf32>, vector<16xf32>, vector<16xf32>, vector<16xf32>, vector<16xf32>, vector<16xf32>, vector<16xf32>, vector<16xf32>, vector<16xf32>, vector<16xf32>, vector<16xf32>, vector<16xf32>, vector<16xf32>, vector<16xf32>, vector<16xf32>, vector<16xf32>, vector<16xf32>, vector<16xf32>, vector<16xf32>, vector<16xf32>, vector<16xf32>, vector<16xf32>)  : i32 {
        %jit3A_285 = arith.constant 4 : i32
        %eq3A_286 = arith.constant 0 : i32
        %eq3A_287 = arith.cmpi eq, %jit3A_285, %eq3A_286 : i32
        %jit3A_288 = arith.constant 1 : i32
        %select_n3A_289 = arith.select %eq3A_287, %jit3A_288, %jit3A_285 : i32
        %rem3A_290 = arith.remsi %while3A_252, %select_n3A_289 : i32
        %ne3A_291 = arith.constant 0 : i32
        %ne3A_292 = arith.cmpi ne, %rem3A_290, %ne3A_291 : i32
        %lt3A = arith.constant 0 : i32
        %lt3A_293 = arith.cmpi slt, %rem3A_290, %lt3A : i32
        %lt3A_294 = arith.constant 0 : i32
        %lt3A_295 = arith.cmpi slt, %select_n3A_289, %lt3A_294 : i32
        %ne3A_296 = arith.xori %lt3A_293, %lt3A_295 : i1
        %and3A_297 = arith.andi %ne3A_296, %ne3A_292 : i1
        %add3A_298 = arith.addi %rem3A_290, %select_n3A_289 : i32
        %select_n3A_299 = arith.select %and3A_297, %add3A_298, %rem3A_290 : i32
        %add3A_300 = arith.constant 3 : i32
        %add3A_301 = arith.addi %while3A_252, %add3A_300 : i32
        %lt3A_302 = arith.cmpi slt, %add3A_301, %select_n3A_131 : i32
        %convert_element_type3A_303 = arith.extui %lt3A_302 : i1 to i32
        %cond3A_304 = arith.constant 0 : i32
        %cond3A_305 = arith.cmpi ne, %convert_element_type3A_303, %cond3A_304 : i32
        scf.if %cond3A_305 {
          %add3A_340 = arith.constant 4 : i32
          %add3A_341 = arith.addi %while3A_252, %add3A_340 : i32
          %sub3A_342 = arith.constant 1 : i32
          %sub3A_343 = arith.subi %add3A_341, %sub3A_342 : i32
          %mul3A_344 = arith.constant 32 : i32
          %mul3A_345 = arith.muli %sub3A_343, %mul3A_344 : i32
          %add3A_346 = arith.addi %mul3A_100, %mul3A_345 : i32
          %add3A_347 = arith.constant 4 : i32
          %add3A_348 = arith.addi %while3A_252, %add3A_347 : i32
          %sub3A_349 = arith.constant 1 : i32
          %sub3A_350 = arith.subi %add3A_348, %sub3A_349 : i32
          %jit3A_351 = arith.constant 4 : i32
          %eq3A_352 = arith.constant 0 : i32
          %eq3A_353 = arith.cmpi eq, %jit3A_351, %eq3A_352 : i32
          %jit3A_354 = arith.constant 1 : i32
          %select_n3A_355 = arith.select %eq3A_353, %jit3A_354, %jit3A_351 : i32
          %rem3A_356 = arith.remsi %sub3A_350, %select_n3A_355 : i32
          %ne3A_357 = arith.constant 0 : i32
          %ne3A_358 = arith.cmpi ne, %rem3A_356, %ne3A_357 : i32
          %lt3A_359 = arith.constant 0 : i32
          %lt3A_360 = arith.cmpi slt, %rem3A_356, %lt3A_359 : i32
          %lt3A_361 = arith.constant 0 : i32
          %lt3A_362 = arith.cmpi slt, %select_n3A_355, %lt3A_361 : i32
          %ne3A_363 = arith.xori %lt3A_360, %lt3A_362 : i1
          %and3A_364 = arith.andi %ne3A_363, %ne3A_358 : i1
          %add3A_365 = arith.addi %rem3A_356, %select_n3A_355 : i32
          %select_n3A_366 = arith.select %and3A_364, %add3A_365, %rem3A_356 : i32
          %dma_start3A = arith.constant 0 : i32
          %dma_start3A_367 = arith.constant 0 : i32
          %dma_start3A_368 = tpu.memref_slice %arg5[%select_n3A_366, %dma_start3A, %dma_start3A_367] : memref<4x32x512xf32, #tpu.memory_space<vmem>> -> memref<1x32x512xf32, #tpu.memory_space<vmem>>
          %dma_start3A_369 = tpu.memref_squeeze %dma_start3A_368 : memref<1x32x512xf32, #tpu.memory_space<vmem>> -> memref<32x512xf32, #tpu.memory_space<vmem>>
          %dma_start3A_370 = tpu.memref_slice %arg2[%scan3A_53, %add3A_346, %mul3A_0] : memref<16x4096x1024xf32, #tpu.memory_space<hbm>> -> memref<1x32x512xf32, #tpu.memory_space<hbm>>
          %dma_start3A_371 = tpu.memref_squeeze %dma_start3A_370 : memref<1x32x512xf32, #tpu.memory_space<hbm>> -> memref<32x512xf32, #tpu.memory_space<hbm>>
          %dma_start3A_372 = tpu.memref_slice %arg12[%select_n3A_366] : memref<4x!tpu.dma_semaphore, #tpu.memory_space<semaphore_mem>> -> memref<1x!tpu.dma_semaphore, #tpu.memory_space<semaphore_mem>>
          %dma_start3A_373 = tpu.memref_squeeze %dma_start3A_372 : memref<1x!tpu.dma_semaphore, #tpu.memory_space<semaphore_mem>> -> memref<!tpu.dma_semaphore, #tpu.memory_space<semaphore_mem>>
          %dma_start3A_374 = arith.constant 0 : i32
          %dma_start3A_375 = arith.constant 0 : i32
          %dma_start3A_376 = tpu.memref_slice %arg5[%select_n3A_366, %dma_start3A_374, %dma_start3A_375] : memref<4x32x512xf32, #tpu.memory_space<vmem>> -> memref<1x32x512xf32, #tpu.memory_space<vmem>>
          %dma_start3A_377 = tpu.memref_squeeze %dma_start3A_376 : memref<1x32x512xf32, #tpu.memory_space<vmem>> -> memref<32x512xf32, #tpu.memory_space<vmem>>
          %dma_start3A_378 = tpu.memref_slice %arg2[%scan3A_53, %add3A_346, %mul3A_0] : memref<16x4096x1024xf32, #tpu.memory_space<hbm>> -> memref<1x32x512xf32, #tpu.memory_space<hbm>>
          %dma_start3A_379 = tpu.memref_squeeze %dma_start3A_378 : memref<1x32x512xf32, #tpu.memory_space<hbm>> -> memref<32x512xf32, #tpu.memory_space<hbm>>
          tpu.enqueue_dma source(%dma_start3A_379 : memref<32x512xf32, #tpu.memory_space<hbm>>) target(%dma_start3A_377 : memref<32x512xf32, #tpu.memory_space<vmem>>) target_semaphore(%dma_start3A_373 : memref<!tpu.dma_semaphore, #tpu.memory_space<semaphore_mem>>)
        } else {
        }
        %dma_wait3A = arith.constant 0 : i32
        %dma_wait3A_306 = arith.constant 0 : i32
        %dma_wait3A_307 = tpu.memref_slice %arg5[%select_n3A_299, %dma_wait3A, %dma_wait3A_306] : memref<4x32x512xf32, #tpu.memory_space<vmem>> -> memref<1x32x512xf32, #tpu.memory_space<vmem>>
        %dma_wait3A_308 = tpu.memref_squeeze %dma_wait3A_307 : memref<1x32x512xf32, #tpu.memory_space<vmem>> -> memref<32x512xf32, #tpu.memory_space<vmem>>
        %dma_wait3A_309 = arith.constant 0 : i32
        %dma_wait3A_310 = tpu.memref_slice %arg2[%scan3A_53, %dma_wait3A_309, %mul3A_0] : memref<16x4096x1024xf32, #tpu.memory_space<hbm>> -> memref<1x32x512xf32, #tpu.memory_space<hbm>>
        %dma_wait3A_311 = tpu.memref_squeeze %dma_wait3A_310 : memref<1x32x512xf32, #tpu.memory_space<hbm>> -> memref<32x512xf32, #tpu.memory_space<hbm>>
        %dma_wait3A_312 = tpu.memref_slice %arg12[%select_n3A_299] : memref<4x!tpu.dma_semaphore, #tpu.memory_space<semaphore_mem>> -> memref<1x!tpu.dma_semaphore, #tpu.memory_space<semaphore_mem>>
        %dma_wait3A_313 = tpu.memref_squeeze %dma_wait3A_312 : memref<1x!tpu.dma_semaphore, #tpu.memory_space<semaphore_mem>> -> memref<!tpu.dma_semaphore, #tpu.memory_space<semaphore_mem>>
        %dma_wait3A_314 = arith.constant 0 : i32
        %dma_wait3A_315 = arith.constant 0 : i32
        %dma_wait3A_316 = tpu.memref_slice %arg5[%select_n3A_299, %dma_wait3A_314, %dma_wait3A_315] : memref<4x32x512xf32, #tpu.memory_space<vmem>> -> memref<1x32x512xf32, #tpu.memory_space<vmem>>
        %dma_wait3A_317 = tpu.memref_squeeze %dma_wait3A_316 : memref<1x32x512xf32, #tpu.memory_space<vmem>> -> memref<32x512xf32, #tpu.memory_space<vmem>>
        %dma_wait3A_318 = arith.constant 0 : i32
        %dma_wait3A_319 = tpu.memref_slice %arg2[%scan3A_53, %dma_wait3A_318, %mul3A_0] : memref<16x4096x1024xf32, #tpu.memory_space<hbm>> -> memref<1x32x512xf32, #tpu.memory_space<hbm>>
        %dma_wait3A_320 = tpu.memref_squeeze %dma_wait3A_319 : memref<1x32x512xf32, #tpu.memory_space<hbm>> -> memref<32x512xf32, #tpu.memory_space<hbm>>
        tpu.wait_dma2 semaphore(%dma_wait3A_313 : memref<!tpu.dma_semaphore, #tpu.memory_space<semaphore_mem>>) src(%dma_wait3A_320 : memref<32x512xf32, #tpu.memory_space<hbm>>) dst(%dma_wait3A_317 : memref<32x512xf32, #tpu.memory_space<vmem>>)
        %mul3A_321 = arith.constant 32 : i32
        %mul3A_322 = arith.muli %while3A_252, %mul3A_321 : i32
        %add3A_323 = arith.addi %mul3A_100, %mul3A_322 : i32
        %sub3A_324 = arith.subi %max3A_72, %add3A_323 : i32
        %max3A_325 = arith.constant 0 : i32
        %max3A_326 = arith.maxsi %sub3A_324, %max3A_325 : i32
        %sub3A_327 = arith.subi %min3A_74, %add3A_323 : i32
        %min3A_328 = arith.constant 32 : i32
        %min3A_329 = arith.minsi %sub3A_327, %min3A_328 : i32
        %while3A_330 = arith.subi %min3A_329, %max3A_326 : i32
        %while3A_331 = arith.addi %max3A_326, %while3A_330 : i32
        %while3A_332 = arith.constant 1 : i32
        %while3A_333 = arith.divsi %while3A_330, %while3A_332 : i32
        %while3A_334 = arith.muli %while3A_333, %while3A_332 : i32
        %while3A_335 = arith.addi %max3A_326, %while3A_334 : i32
        %while3A_336 = arith.constant 1 : i32
        %while3A_337:32 = scf.for %while3A_340 = %max3A_326 to %while3A_335 step %while3A_336 iter_args(%while3A_341 = %while3A_253, %while3A_342 = %while3A_254, %while3A_343 = %while3A_255, %while3A_344 = %while3A_256, %while3A_345 = %while3A_257, %while3A_346 = %while3A_258, %while3A_347 = %while3A_259, %while3A_348 = %while3A_260, %while3A_349 = %while3A_261, %while3A_350 = %while3A_262, %while3A_351 = %while3A_263, %while3A_352 = %while3A_264, %while3A_353 = %while3A_265, %while3A_354 = %while3A_266, %while3A_355 = %while3A_267, %while3A_356 = %while3A_268, %while3A_357 = %while3A_269, %while3A_358 = %while3A_270, %while3A_359 = %while3A_271, %while3A_360 = %while3A_272, %while3A_361 = %while3A_273, %while3A_362 = %while3A_274, %while3A_363 = %while3A_275, %while3A_364 = %while3A_276, %while3A_365 = %while3A_277, %while3A_366 = %while3A_278, %while3A_367 = %while3A_279, %while3A_368 = %while3A_280, %while3A_369 = %while3A_281, %while3A_370 = %while3A_282, %while3A_371 = %while3A_283, %while3A_372 = %while3A_284) -> (vector<16xf32>, vector<16xf32>, vector<16xf32>, vector<16xf32>, vector<16xf32>, vector<16xf32>, vector<16xf32>, vector<16xf32>, vector<16xf32>, vector<16xf32>, vector<16xf32>, vector<16xf32>, vector<16xf32>, vector<16xf32>, vector<16xf32>, vector<16xf32>, vector<16xf32>, vector<16xf32>, vector<16xf32>, vector<16xf32>, vector<16xf32>, vector<16xf32>, vector<16xf32>, vector<16xf32>, vector<16xf32>, vector<16xf32>, vector<16xf32>, vector<16xf32>, vector<16xf32>, vector<16xf32>, vector<16xf32>, vector<16xf32>)  : i32 {
          %get3A_373 = arith.index_cast %select_n3A_299 : i32 to index
          %get3A_374 = arith.index_cast %while3A_340 : i32 to index
          %get3A_375 = arith.constant 0 : index
          %get3A_376 = tpu.vector_load %arg5[%get3A_373, %get3A_374, %get3A_375] {strides = array<i32>} : memref<4x32x512xf32, #tpu.memory_space<vmem>>, vector<16xf32>,
          %add3A_377 = arith.addf %while3A_341, %get3A_376 : vector<16xf32>
          %get3A_378 = arith.index_cast %select_n3A_299 : i32 to index
          %get3A_379 = arith.index_cast %while3A_340 : i32 to index
          %get3A_380 = arith.constant 16 : index
          %get3A_381 = tpu.vector_load %arg5[%get3A_378, %get3A_379, %get3A_380] {strides = array<i32>} : memref<4x32x512xf32, #tpu.memory_space<vmem>>, vector<16xf32>,
          %add3A_382 = arith.addf %while3A_342, %get3A_381 : vector<16xf32>
          %get3A_383 = arith.index_cast %select_n3A_299 : i32 to index
          %get3A_384 = arith.index_cast %while3A_340 : i32 to index
          %get3A_385 = arith.constant 32 : index
          %get3A_386 = tpu.vector_load %arg5[%get3A_383, %get3A_384, %get3A_385] {strides = array<i32>} : memref<4x32x512xf32, #tpu.memory_space<vmem>>, vector<16xf32>,
          %add3A_387 = arith.addf %while3A_343, %get3A_386 : vector<16xf32>
          %get3A_388 = arith.index_cast %select_n3A_299 : i32 to index
          %get3A_389 = arith.index_cast %while3A_340 : i32 to index
          %get3A_390 = arith.constant 48 : index
          %get3A_391 = tpu.vector_load %arg5[%get3A_388, %get3A_389, %get3A_390] {strides = array<i32>} : memref<4x32x512xf32, #tpu.memory_space<vmem>>, vector<16xf32>,
          %add3A_392 = arith.addf %while3A_344, %get3A_391 : vector<16xf32>
          %get3A_393 = arith.index_cast %select_n3A_299 : i32 to index
          %get3A_394 = arith.index_cast %while3A_340 : i32 to index
          %get3A_395 = arith.constant 64 : index
          %get3A_396 = tpu.vector_load %arg5[%get3A_393, %get3A_394, %get3A_395] {strides = array<i32>} : memref<4x32x512xf32, #tpu.memory_space<vmem>>, vector<16xf32>,
          %add3A_397 = arith.addf %while3A_345, %get3A_396 : vector<16xf32>
          %get3A_398 = arith.index_cast %select_n3A_299 : i32 to index
          %get3A_399 = arith.index_cast %while3A_340 : i32 to index
          %get3A_400 = arith.constant 80 : index
          %get3A_401 = tpu.vector_load %arg5[%get3A_398, %get3A_399, %get3A_400] {strides = array<i32>} : memref<4x32x512xf32, #tpu.memory_space<vmem>>, vector<16xf32>,
          %add3A_402 = arith.addf %while3A_346, %get3A_401 : vector<16xf32>
          %get3A_403 = arith.index_cast %select_n3A_299 : i32 to index
          %get3A_404 = arith.index_cast %while3A_340 : i32 to index
          %get3A_405 = arith.constant 96 : index
          %get3A_406 = tpu.vector_load %arg5[%get3A_403, %get3A_404, %get3A_405] {strides = array<i32>} : memref<4x32x512xf32, #tpu.memory_space<vmem>>, vector<16xf32>,
          %add3A_407 = arith.addf %while3A_347, %get3A_406 : vector<16xf32>
          %get3A_408 = arith.index_cast %select_n3A_299 : i32 to index
          %get3A_409 = arith.index_cast %while3A_340 : i32 to index
          %get3A_410 = arith.constant 112 : index
          %get3A_411 = tpu.vector_load %arg5[%get3A_408, %get3A_409, %get3A_410] {strides = array<i32>} : memref<4x32x512xf32, #tpu.memory_space<vmem>>, vector<16xf32>,
          %add3A_412 = arith.addf %while3A_348, %get3A_411 : vector<16xf32>
          %get3A_413 = arith.index_cast %select_n3A_299 : i32 to index
          %get3A_414 = arith.index_cast %while3A_340 : i32 to index
          %get3A_415 = arith.constant 128 : index
          %get3A_416 = tpu.vector_load %arg5[%get3A_413, %get3A_414, %get3A_415] {strides = array<i32>} : memref<4x32x512xf32, #tpu.memory_space<vmem>>, vector<16xf32>,
          %add3A_417 = arith.addf %while3A_349, %get3A_416 : vector<16xf32>
          %get3A_418 = arith.index_cast %select_n3A_299 : i32 to index
          %get3A_419 = arith.index_cast %while3A_340 : i32 to index
          %get3A_420 = arith.constant 144 : index
          %get3A_421 = tpu.vector_load %arg5[%get3A_418, %get3A_419, %get3A_420] {strides = array<i32>} : memref<4x32x512xf32, #tpu.memory_space<vmem>>, vector<16xf32>,
          %add3A_422 = arith.addf %while3A_350, %get3A_421 : vector<16xf32>
          %get3A_423 = arith.index_cast %select_n3A_299 : i32 to index
          %get3A_424 = arith.index_cast %while3A_340 : i32 to index
          %get3A_425 = arith.constant 160 : index
          %get3A_426 = tpu.vector_load %arg5[%get3A_423, %get3A_424, %get3A_425] {strides = array<i32>} : memref<4x32x512xf32, #tpu.memory_space<vmem>>, vector<16xf32>,
          %add3A_427 = arith.addf %while3A_351, %get3A_426 : vector<16xf32>
          %get3A_428 = arith.index_cast %select_n3A_299 : i32 to index
          %get3A_429 = arith.index_cast %while3A_340 : i32 to index
          %get3A_430 = arith.constant 176 : index
          %get3A_431 = tpu.vector_load %arg5[%get3A_428, %get3A_429, %get3A_430] {strides = array<i32>} : memref<4x32x512xf32, #tpu.memory_space<vmem>>, vector<16xf32>,
          %add3A_432 = arith.addf %while3A_352, %get3A_431 : vector<16xf32>
          %get3A_433 = arith.index_cast %select_n3A_299 : i32 to index
          %get3A_434 = arith.index_cast %while3A_340 : i32 to index
          %get3A_435 = arith.constant 192 : index
          %get3A_436 = tpu.vector_load %arg5[%get3A_433, %get3A_434, %get3A_435] {strides = array<i32>} : memref<4x32x512xf32, #tpu.memory_space<vmem>>, vector<16xf32>,
          %add3A_437 = arith.addf %while3A_353, %get3A_436 : vector<16xf32>
          %get3A_438 = arith.index_cast %select_n3A_299 : i32 to index
          %get3A_439 = arith.index_cast %while3A_340 : i32 to index
          %get3A_440 = arith.constant 208 : index
          %get3A_441 = tpu.vector_load %arg5[%get3A_438, %get3A_439, %get3A_440] {strides = array<i32>} : memref<4x32x512xf32, #tpu.memory_space<vmem>>, vector<16xf32>,
          %add3A_442 = arith.addf %while3A_354, %get3A_441 : vector<16xf32>
          %get3A_443 = arith.index_cast %select_n3A_299 : i32 to index
          %get3A_444 = arith.index_cast %while3A_340 : i32 to index
          %get3A_445 = arith.constant 224 : index
          %get3A_446 = tpu.vector_load %arg5[%get3A_443, %get3A_444, %get3A_445] {strides = array<i32>} : memref<4x32x512xf32, #tpu.memory_space<vmem>>, vector<16xf32>,
          %add3A_447 = arith.addf %while3A_355, %get3A_446 : vector<16xf32>
          %get3A_448 = arith.index_cast %select_n3A_299 : i32 to index
          %get3A_449 = arith.index_cast %while3A_340 : i32 to index
          %get3A_450 = arith.constant 240 : index
          %get3A_451 = tpu.vector_load %arg5[%get3A_448, %get3A_449, %get3A_450] {strides = array<i32>} : memref<4x32x512xf32, #tpu.memory_space<vmem>>, vector<16xf32>,
          %add3A_452 = arith.addf %while3A_356, %get3A_451 : vector<16xf32>
          %get3A_453 = arith.index_cast %select_n3A_299 : i32 to index
          %get3A_454 = arith.index_cast %while3A_340 : i32 to index
          %get3A_455 = arith.constant 256 : index
          %get3A_456 = tpu.vector_load %arg5[%get3A_453, %get3A_454, %get3A_455] {strides = array<i32>} : memref<4x32x512xf32, #tpu.memory_space<vmem>>, vector<16xf32>,
          %add3A_457 = arith.addf %while3A_357, %get3A_456 : vector<16xf32>
          %get3A_458 = arith.index_cast %select_n3A_299 : i32 to index
          %get3A_459 = arith.index_cast %while3A_340 : i32 to index
          %get3A_460 = arith.constant 272 : index
          %get3A_461 = tpu.vector_load %arg5[%get3A_458, %get3A_459, %get3A_460] {strides = array<i32>} : memref<4x32x512xf32, #tpu.memory_space<vmem>>, vector<16xf32>,
          %add3A_462 = arith.addf %while3A_358, %get3A_461 : vector<16xf32>
          %get3A_463 = arith.index_cast %select_n3A_299 : i32 to index
          %get3A_464 = arith.index_cast %while3A_340 : i32 to index
          %get3A_465 = arith.constant 288 : index
          %get3A_466 = tpu.vector_load %arg5[%get3A_463, %get3A_464, %get3A_465] {strides = array<i32>} : memref<4x32x512xf32, #tpu.memory_space<vmem>>, vector<16xf32>,
          %add3A_467 = arith.addf %while3A_359, %get3A_466 : vector<16xf32>
          %get3A_468 = arith.index_cast %select_n3A_299 : i32 to index
          %get3A_469 = arith.index_cast %while3A_340 : i32 to index
          %get3A_470 = arith.constant 304 : index
          %get3A_471 = tpu.vector_load %arg5[%get3A_468, %get3A_469, %get3A_470] {strides = array<i32>} : memref<4x32x512xf32, #tpu.memory_space<vmem>>, vector<16xf32>,
          %add3A_472 = arith.addf %while3A_360, %get3A_471 : vector<16xf32>
          %get3A_473 = arith.index_cast %select_n3A_299 : i32 to index
          %get3A_474 = arith.index_cast %while3A_340 : i32 to index
          %get3A_475 = arith.constant 320 : index
          %get3A_476 = tpu.vector_load %arg5[%get3A_473, %get3A_474, %get3A_475] {strides = array<i32>} : memref<4x32x512xf32, #tpu.memory_space<vmem>>, vector<16xf32>,
          %add3A_477 = arith.addf %while3A_361, %get3A_476 : vector<16xf32>
          %get3A_478 = arith.index_cast %select_n3A_299 : i32 to index
          %get3A_479 = arith.index_cast %while3A_340 : i32 to index
          %get3A_480 = arith.constant 336 : index
          %get3A_481 = tpu.vector_load %arg5[%get3A_478, %get3A_479, %get3A_480] {strides = array<i32>} : memref<4x32x512xf32, #tpu.memory_space<vmem>>, vector<16xf32>,
          %add3A_482 = arith.addf %while3A_362, %get3A_481 : vector<16xf32>
          %get3A_483 = arith.index_cast %select_n3A_299 : i32 to index
          %get3A_484 = arith.index_cast %while3A_340 : i32 to index
          %get3A_485 = arith.constant 352 : index
          %get3A_486 = tpu.vector_load %arg5[%get3A_483, %get3A_484, %get3A_485] {strides = array<i32>} : memref<4x32x512xf32, #tpu.memory_space<vmem>>, vector<16xf32>,
          %add3A_487 = arith.addf %while3A_363, %get3A_486 : vector<16xf32>
          %get3A_488 = arith.index_cast %select_n3A_299 : i32 to index
          %get3A_489 = arith.index_cast %while3A_340 : i32 to index
          %get3A_490 = arith.constant 368 : index
          %get3A_491 = tpu.vector_load %arg5[%get3A_488, %get3A_489, %get3A_490] {strides = array<i32>} : memref<4x32x512xf32, #tpu.memory_space<vmem>>, vector<16xf32>,
          %add3A_492 = arith.addf %while3A_364, %get3A_491 : vector<16xf32>
          %get3A_493 = arith.index_cast %select_n3A_299 : i32 to index
          %get3A_494 = arith.index_cast %while3A_340 : i32 to index
          %get3A_495 = arith.constant 384 : index
          %get3A_496 = tpu.vector_load %arg5[%get3A_493, %get3A_494, %get3A_495] {strides = array<i32>} : memref<4x32x512xf32, #tpu.memory_space<vmem>>, vector<16xf32>,
          %add3A_497 = arith.addf %while3A_365, %get3A_496 : vector<16xf32>
          %get3A_498 = arith.index_cast %select_n3A_299 : i32 to index
          %get3A_499 = arith.index_cast %while3A_340 : i32 to index
          %get3A_500 = arith.constant 400 : index
          %get3A_501 = tpu.vector_load %arg5[%get3A_498, %get3A_499, %get3A_500] {strides = array<i32>} : memref<4x32x512xf32, #tpu.memory_space<vmem>>, vector<16xf32>,
          %add3A_502 = arith.addf %while3A_366, %get3A_501 : vector<16xf32>
          %get3A_503 = arith.index_cast %select_n3A_299 : i32 to index
          %get3A_504 = arith.index_cast %while3A_340 : i32 to index
          %get3A_505 = arith.constant 416 : index
          %get3A_506 = tpu.vector_load %arg5[%get3A_503, %get3A_504, %get3A_505] {strides = array<i32>} : memref<4x32x512xf32, #tpu.memory_space<vmem>>, vector<16xf32>,
          %add3A_507 = arith.addf %while3A_367, %get3A_506 : vector<16xf32>
          %get3A_508 = arith.index_cast %select_n3A_299 : i32 to index
          %get3A_509 = arith.index_cast %while3A_340 : i32 to index
          %get3A_510 = arith.constant 432 : index
          %get3A_511 = tpu.vector_load %arg5[%get3A_508, %get3A_509, %get3A_510] {strides = array<i32>} : memref<4x32x512xf32, #tpu.memory_space<vmem>>, vector<16xf32>,
          %add3A_512 = arith.addf %while3A_368, %get3A_511 : vector<16xf32>
          %get3A_513 = arith.index_cast %select_n3A_299 : i32 to index
          %get3A_514 = arith.index_cast %while3A_340 : i32 to index
          %get3A_515 = arith.constant 448 : index
          %get3A_516 = tpu.vector_load %arg5[%get3A_513, %get3A_514, %get3A_515] {strides = array<i32>} : memref<4x32x512xf32, #tpu.memory_space<vmem>>, vector<16xf32>,
          %add3A_517 = arith.addf %while3A_369, %get3A_516 : vector<16xf32>
          %get3A_518 = arith.index_cast %select_n3A_299 : i32 to index
          %get3A_519 = arith.index_cast %while3A_340 : i32 to index
          %get3A_520 = arith.constant 464 : index
          %get3A_521 = tpu.vector_load %arg5[%get3A_518, %get3A_519, %get3A_520] {strides = array<i32>} : memref<4x32x512xf32, #tpu.memory_space<vmem>>, vector<16xf32>,
          %add3A_522 = arith.addf %while3A_370, %get3A_521 : vector<16xf32>
          %get3A_523 = arith.index_cast %select_n3A_299 : i32 to index
          %get3A_524 = arith.index_cast %while3A_340 : i32 to index
          %get3A_525 = arith.constant 480 : index
          %get3A_526 = tpu.vector_load %arg5[%get3A_523, %get3A_524, %get3A_525] {strides = array<i32>} : memref<4x32x512xf32, #tpu.memory_space<vmem>>, vector<16xf32>,
          %add3A_527 = arith.addf %while3A_371, %get3A_526 : vector<16xf32>
          %get3A_528 = arith.index_cast %select_n3A_299 : i32 to index
          %get3A_529 = arith.index_cast %while3A_340 : i32 to index
          %get3A_530 = arith.constant 496 : index
          %get3A_531 = tpu.vector_load %arg5[%get3A_528, %get3A_529, %get3A_530] {strides = array<i32>} : memref<4x32x512xf32, #tpu.memory_space<vmem>>, vector<16xf32>,
          %add3A_532 = arith.addf %while3A_372, %get3A_531 : vector<16xf32>
          scf.yield %add3A_377, %add3A_382, %add3A_387, %add3A_392, %add3A_397, %add3A_402, %add3A_407, %add3A_412, %add3A_417, %add3A_422, %add3A_427, %add3A_432, %add3A_437, %add3A_442, %add3A_447, %add3A_452, %add3A_457, %add3A_462, %add3A_467, %add3A_472, %add3A_477, %add3A_482, %add3A_487, %add3A_492, %add3A_497, %add3A_502, %add3A_507, %add3A_512, %add3A_517, %add3A_522, %add3A_527, %add3A_532 : vector<16xf32>, vector<16xf32>, vector<16xf32>, vector<16xf32>, vector<16xf32>, vector<16xf32>, vector<16xf32>, vector<16xf32>, vector<16xf32>, vector<16xf32>, vector<16xf32>, vector<16xf32>, vector<16xf32>, vector<16xf32>, vector<16xf32>, vector<16xf32>, vector<16xf32>, vector<16xf32>, vector<16xf32>, vector<16xf32>, vector<16xf32>, vector<16xf32>, vector<16xf32>, vector<16xf32>, vector<16xf32>, vector<16xf32>, vector<16xf32>, vector<16xf32>, vector<16xf32>, vector<16xf32>, vector<16xf32>, vector<16xf32>
        }
        %while3A_338 = arith.constant 1 : i32
        %while3A_339:32 = scf.for %while3A_340 = %while3A_335 to %while3A_331 step %while3A_338 iter_args(%while3A_341 = %while3A_337#0, %while3A_342 = %while3A_337#1, %while3A_343 = %while3A_337#2, %while3A_344 = %while3A_337#3, %while3A_345 = %while3A_337#4, %while3A_346 = %while3A_337#5, %while3A_347 = %while3A_337#6, %while3A_348 = %while3A_337#7, %while3A_349 = %while3A_337#8, %while3A_350 = %while3A_337#9, %while3A_351 = %while3A_337#10, %while3A_352 = %while3A_337#11, %while3A_353 = %while3A_337#12, %while3A_354 = %while3A_337#13, %while3A_355 = %while3A_337#14, %while3A_356 = %while3A_337#15, %while3A_357 = %while3A_337#16, %while3A_358 = %while3A_337#17, %while3A_359 = %while3A_337#18, %while3A_360 = %while3A_337#19, %while3A_361 = %while3A_337#20, %while3A_362 = %while3A_337#21, %while3A_363 = %while3A_337#22, %while3A_364 = %while3A_337#23, %while3A_365 = %while3A_337#24, %while3A_366 = %while3A_337#25, %while3A_367 = %while3A_337#26, %while3A_368 = %while3A_337#27, %while3A_369 = %while3A_337#28, %while3A_370 = %while3A_337#29, %while3A_371 = %while3A_337#30, %while3A_372 = %while3A_337#31) -> (vector<16xf32>, vector<16xf32>, vector<16xf32>, vector<16xf32>, vector<16xf32>, vector<16xf32>, vector<16xf32>, vector<16xf32>, vector<16xf32>, vector<16xf32>, vector<16xf32>, vector<16xf32>, vector<16xf32>, vector<16xf32>, vector<16xf32>, vector<16xf32>, vector<16xf32>, vector<16xf32>, vector<16xf32>, vector<16xf32>, vector<16xf32>, vector<16xf32>, vector<16xf32>, vector<16xf32>, vector<16xf32>, vector<16xf32>, vector<16xf32>, vector<16xf32>, vector<16xf32>, vector<16xf32>, vector<16xf32>, vector<16xf32>)  : i32 {
          %get3A_373 = arith.index_cast %select_n3A_299 : i32 to index
          %get3A_374 = arith.index_cast %while3A_340 : i32 to index
          %get3A_375 = arith.constant 0 : index
          %get3A_376 = tpu.vector_load %arg5[%get3A_373, %get3A_374, %get3A_375] {strides = array<i32>} : memref<4x32x512xf32, #tpu.memory_space<vmem>>, vector<16xf32>,
          %add3A_377 = arith.addf %while3A_341, %get3A_376 : vector<16xf32>
          %get3A_378 = arith.index_cast %select_n3A_299 : i32 to index
          %get3A_379 = arith.index_cast %while3A_340 : i32 to index
          %get3A_380 = arith.constant 16 : index
          %get3A_381 = tpu.vector_load %arg5[%get3A_378, %get3A_379, %get3A_380] {strides = array<i32>} : memref<4x32x512xf32, #tpu.memory_space<vmem>>, vector<16xf32>,
          %add3A_382 = arith.addf %while3A_342, %get3A_381 : vector<16xf32>
          %get3A_383 = arith.index_cast %select_n3A_299 : i32 to index
          %get3A_384 = arith.index_cast %while3A_340 : i32 to index
          %get3A_385 = arith.constant 32 : index
          %get3A_386 = tpu.vector_load %arg5[%get3A_383, %get3A_384, %get3A_385] {strides = array<i32>} : memref<4x32x512xf32, #tpu.memory_space<vmem>>, vector<16xf32>,
          %add3A_387 = arith.addf %while3A_343, %get3A_386 : vector<16xf32>
          %get3A_388 = arith.index_cast %select_n3A_299 : i32 to index
          %get3A_389 = arith.index_cast %while3A_340 : i32 to index
          %get3A_390 = arith.constant 48 : index
          %get3A_391 = tpu.vector_load %arg5[%get3A_388, %get3A_389, %get3A_390] {strides = array<i32>} : memref<4x32x512xf32, #tpu.memory_space<vmem>>, vector<16xf32>,
          %add3A_392 = arith.addf %while3A_344, %get3A_391 : vector<16xf32>
          %get3A_393 = arith.index_cast %select_n3A_299 : i32 to index
          %get3A_394 = arith.index_cast %while3A_340 : i32 to index
          %get3A_395 = arith.constant 64 : index
          %get3A_396 = tpu.vector_load %arg5[%get3A_393, %get3A_394, %get3A_395] {strides = array<i32>} : memref<4x32x512xf32, #tpu.memory_space<vmem>>, vector<16xf32>,
          %add3A_397 = arith.addf %while3A_345, %get3A_396 : vector<16xf32>
          %get3A_398 = arith.index_cast %select_n3A_299 : i32 to index
          %get3A_399 = arith.index_cast %while3A_340 : i32 to index
          %get3A_400 = arith.constant 80 : index
          %get3A_401 = tpu.vector_load %arg5[%get3A_398, %get3A_399, %get3A_400] {strides = array<i32>} : memref<4x32x512xf32, #tpu.memory_space<vmem>>, vector<16xf32>,
          %add3A_402 = arith.addf %while3A_346, %get3A_401 : vector<16xf32>
          %get3A_403 = arith.index_cast %select_n3A_299 : i32 to index
          %get3A_404 = arith.index_cast %while3A_340 : i32 to index
          %get3A_405 = arith.constant 96 : index
          %get3A_406 = tpu.vector_load %arg5[%get3A_403, %get3A_404, %get3A_405] {strides = array<i32>} : memref<4x32x512xf32, #tpu.memory_space<vmem>>, vector<16xf32>,
          %add3A_407 = arith.addf %while3A_347, %get3A_406 : vector<16xf32>
          %get3A_408 = arith.index_cast %select_n3A_299 : i32 to index
          %get3A_409 = arith.index_cast %while3A_340 : i32 to index
          %get3A_410 = arith.constant 112 : index
          %get3A_411 = tpu.vector_load %arg5[%get3A_408, %get3A_409, %get3A_410] {strides = array<i32>} : memref<4x32x512xf32, #tpu.memory_space<vmem>>, vector<16xf32>,
          %add3A_412 = arith.addf %while3A_348, %get3A_411 : vector<16xf32>
          %get3A_413 = arith.index_cast %select_n3A_299 : i32 to index
          %get3A_414 = arith.index_cast %while3A_340 : i32 to index
          %get3A_415 = arith.constant 128 : index
          %get3A_416 = tpu.vector_load %arg5[%get3A_413, %get3A_414, %get3A_415] {strides = array<i32>} : memref<4x32x512xf32, #tpu.memory_space<vmem>>, vector<16xf32>,
          %add3A_417 = arith.addf %while3A_349, %get3A_416 : vector<16xf32>
          %get3A_418 = arith.index_cast %select_n3A_299 : i32 to index
          %get3A_419 = arith.index_cast %while3A_340 : i32 to index
          %get3A_420 = arith.constant 144 : index
          %get3A_421 = tpu.vector_load %arg5[%get3A_418, %get3A_419, %get3A_420] {strides = array<i32>} : memref<4x32x512xf32, #tpu.memory_space<vmem>>, vector<16xf32>,
          %add3A_422 = arith.addf %while3A_350, %get3A_421 : vector<16xf32>
          %get3A_423 = arith.index_cast %select_n3A_299 : i32 to index
          %get3A_424 = arith.index_cast %while3A_340 : i32 to index
          %get3A_425 = arith.constant 160 : index
          %get3A_426 = tpu.vector_load %arg5[%get3A_423, %get3A_424, %get3A_425] {strides = array<i32>} : memref<4x32x512xf32, #tpu.memory_space<vmem>>, vector<16xf32>,
          %add3A_427 = arith.addf %while3A_351, %get3A_426 : vector<16xf32>
          %get3A_428 = arith.index_cast %select_n3A_299 : i32 to index
          %get3A_429 = arith.index_cast %while3A_340 : i32 to index
          %get3A_430 = arith.constant 176 : index
          %get3A_431 = tpu.vector_load %arg5[%get3A_428, %get3A_429, %get3A_430] {strides = array<i32>} : memref<4x32x512xf32, #tpu.memory_space<vmem>>, vector<16xf32>,
          %add3A_432 = arith.addf %while3A_352, %get3A_431 : vector<16xf32>
          %get3A_433 = arith.index_cast %select_n3A_299 : i32 to index
          %get3A_434 = arith.index_cast %while3A_340 : i32 to index
          %get3A_435 = arith.constant 192 : index
          %get3A_436 = tpu.vector_load %arg5[%get3A_433, %get3A_434, %get3A_435] {strides = array<i32>} : memref<4x32x512xf32, #tpu.memory_space<vmem>>, vector<16xf32>,
          %add3A_437 = arith.addf %while3A_353, %get3A_436 : vector<16xf32>
          %get3A_438 = arith.index_cast %select_n3A_299 : i32 to index
          %get3A_439 = arith.index_cast %while3A_340 : i32 to index
          %get3A_440 = arith.constant 208 : index
          %get3A_441 = tpu.vector_load %arg5[%get3A_438, %get3A_439, %get3A_440] {strides = array<i32>} : memref<4x32x512xf32, #tpu.memory_space<vmem>>, vector<16xf32>,
          %add3A_442 = arith.addf %while3A_354, %get3A_441 : vector<16xf32>
          %get3A_443 = arith.index_cast %select_n3A_299 : i32 to index
          %get3A_444 = arith.index_cast %while3A_340 : i32 to index
          %get3A_445 = arith.constant 224 : index
          %get3A_446 = tpu.vector_load %arg5[%get3A_443, %get3A_444, %get3A_445] {strides = array<i32>} : memref<4x32x512xf32, #tpu.memory_space<vmem>>, vector<16xf32>,
          %add3A_447 = arith.addf %while3A_355, %get3A_446 : vector<16xf32>
          %get3A_448 = arith.index_cast %select_n3A_299 : i32 to index
          %get3A_449 = arith.index_cast %while3A_340 : i32 to index
          %get3A_450 = arith.constant 240 : index
          %get3A_451 = tpu.vector_load %arg5[%get3A_448, %get3A_449, %get3A_450] {strides = array<i32>} : memref<4x32x512xf32, #tpu.memory_space<vmem>>, vector<16xf32>,
          %add3A_452 = arith.addf %while3A_356, %get3A_451 : vector<16xf32>
          %get3A_453 = arith.index_cast %select_n3A_299 : i32 to index
          %get3A_454 = arith.index_cast %while3A_340 : i32 to index
          %get3A_455 = arith.constant 256 : index
          %get3A_456 = tpu.vector_load %arg5[%get3A_453, %get3A_454, %get3A_455] {strides = array<i32>} : memref<4x32x512xf32, #tpu.memory_space<vmem>>, vector<16xf32>,
          %add3A_457 = arith.addf %while3A_357, %get3A_456 : vector<16xf32>
          %get3A_458 = arith.index_cast %select_n3A_299 : i32 to index
          %get3A_459 = arith.index_cast %while3A_340 : i32 to index
          %get3A_460 = arith.constant 272 : index
          %get3A_461 = tpu.vector_load %arg5[%get3A_458, %get3A_459, %get3A_460] {strides = array<i32>} : memref<4x32x512xf32, #tpu.memory_space<vmem>>, vector<16xf32>,
          %add3A_462 = arith.addf %while3A_358, %get3A_461 : vector<16xf32>
          %get3A_463 = arith.index_cast %select_n3A_299 : i32 to index
          %get3A_464 = arith.index_cast %while3A_340 : i32 to index
          %get3A_465 = arith.constant 288 : index
          %get3A_466 = tpu.vector_load %arg5[%get3A_463, %get3A_464, %get3A_465] {strides = array<i32>} : memref<4x32x512xf32, #tpu.memory_space<vmem>>, vector<16xf32>,
          %add3A_467 = arith.addf %while3A_359, %get3A_466 : vector<16xf32>
          %get3A_468 = arith.index_cast %select_n3A_299 : i32 to index
          %get3A_469 = arith.index_cast %while3A_340 : i32 to index
          %get3A_470 = arith.constant 304 : index
          %get3A_471 = tpu.vector_load %arg5[%get3A_468, %get3A_469, %get3A_470] {strides = array<i32>} : memref<4x32x512xf32, #tpu.memory_space<vmem>>, vector<16xf32>,
          %add3A_472 = arith.addf %while3A_360, %get3A_471 : vector<16xf32>
          %get3A_473 = arith.index_cast %select_n3A_299 : i32 to index
          %get3A_474 = arith.index_cast %while3A_340 : i32 to index
          %get3A_475 = arith.constant 320 : index
          %get3A_476 = tpu.vector_load %arg5[%get3A_473, %get3A_474, %get3A_475] {strides = array<i32>} : memref<4x32x512xf32, #tpu.memory_space<vmem>>, vector<16xf32>,
          %add3A_477 = arith.addf %while3A_361, %get3A_476 : vector<16xf32>
          %get3A_478 = arith.index_cast %select_n3A_299 : i32 to index
          %get3A_479 = arith.index_cast %while3A_340 : i32 to index
          %get3A_480 = arith.constant 336 : index
          %get3A_481 = tpu.vector_load %arg5[%get3A_478, %get3A_479, %get3A_480] {strides = array<i32>} : memref<4x32x512xf32, #tpu.memory_space<vmem>>, vector<16xf32>,
          %add3A_482 = arith.addf %while3A_362, %get3A_481 : vector<16xf32>
          %get3A_483 = arith.index_cast %select_n3A_299 : i32 to index
          %get3A_484 = arith.index_cast %while3A_340 : i32 to index
          %get3A_485 = arith.constant 352 : index
          %get3A_486 = tpu.vector_load %arg5[%get3A_483, %get3A_484, %get3A_485] {strides = array<i32>} : memref<4x32x512xf32, #tpu.memory_space<vmem>>, vector<16xf32>,
          %add3A_487 = arith.addf %while3A_363, %get3A_486 : vector<16xf32>
          %get3A_488 = arith.index_cast %select_n3A_299 : i32 to index
          %get3A_489 = arith.index_cast %while3A_340 : i32 to index
          %get3A_490 = arith.constant 368 : index
          %get3A_491 = tpu.vector_load %arg5[%get3A_488, %get3A_489, %get3A_490] {strides = array<i32>} : memref<4x32x512xf32, #tpu.memory_space<vmem>>, vector<16xf32>,
          %add3A_492 = arith.addf %while3A_364, %get3A_491 : vector<16xf32>
          %get3A_493 = arith.index_cast %select_n3A_299 : i32 to index
          %get3A_494 = arith.index_cast %while3A_340 : i32 to index
          %get3A_495 = arith.constant 384 : index
          %get3A_496 = tpu.vector_load %arg5[%get3A_493, %get3A_494, %get3A_495] {strides = array<i32>} : memref<4x32x512xf32, #tpu.memory_space<vmem>>, vector<16xf32>,
          %add3A_497 = arith.addf %while3A_365, %get3A_496 : vector<16xf32>
          %get3A_498 = arith.index_cast %select_n3A_299 : i32 to index
          %get3A_499 = arith.index_cast %while3A_340 : i32 to index
          %get3A_500 = arith.constant 400 : index
          %get3A_501 = tpu.vector_load %arg5[%get3A_498, %get3A_499, %get3A_500] {strides = array<i32>} : memref<4x32x512xf32, #tpu.memory_space<vmem>>, vector<16xf32>,
          %add3A_502 = arith.addf %while3A_366, %get3A_501 : vector<16xf32>
          %get3A_503 = arith.index_cast %select_n3A_299 : i32 to index
          %get3A_504 = arith.index_cast %while3A_340 : i32 to index
          %get3A_505 = arith.constant 416 : index
          %get3A_506 = tpu.vector_load %arg5[%get3A_503, %get3A_504, %get3A_505] {strides = array<i32>} : memref<4x32x512xf32, #tpu.memory_space<vmem>>, vector<16xf32>,
          %add3A_507 = arith.addf %while3A_367, %get3A_506 : vector<16xf32>
          %get3A_508 = arith.index_cast %select_n3A_299 : i32 to index
          %get3A_509 = arith.index_cast %while3A_340 : i32 to index
          %get3A_510 = arith.constant 432 : index
          %get3A_511 = tpu.vector_load %arg5[%get3A_508, %get3A_509, %get3A_510] {strides = array<i32>} : memref<4x32x512xf32, #tpu.memory_space<vmem>>, vector<16xf32>,
          %add3A_512 = arith.addf %while3A_368, %get3A_511 : vector<16xf32>
          %get3A_513 = arith.index_cast %select_n3A_299 : i32 to index
          %get3A_514 = arith.index_cast %while3A_340 : i32 to index
          %get3A_515 = arith.constant 448 : index
          %get3A_516 = tpu.vector_load %arg5[%get3A_513, %get3A_514, %get3A_515] {strides = array<i32>} : memref<4x32x512xf32, #tpu.memory_space<vmem>>, vector<16xf32>,
          %add3A_517 = arith.addf %while3A_369, %get3A_516 : vector<16xf32>
          %get3A_518 = arith.index_cast %select_n3A_299 : i32 to index
          %get3A_519 = arith.index_cast %while3A_340 : i32 to index
          %get3A_520 = arith.constant 464 : index
          %get3A_521 = tpu.vector_load %arg5[%get3A_518, %get3A_519, %get3A_520] {strides = array<i32>} : memref<4x32x512xf32, #tpu.memory_space<vmem>>, vector<16xf32>,
          %add3A_522 = arith.addf %while3A_370, %get3A_521 : vector<16xf32>
          %get3A_523 = arith.index_cast %select_n3A_299 : i32 to index
          %get3A_524 = arith.index_cast %while3A_340 : i32 to index
          %get3A_525 = arith.constant 480 : index
          %get3A_526 = tpu.vector_load %arg5[%get3A_523, %get3A_524, %get3A_525] {strides = array<i32>} : memref<4x32x512xf32, #tpu.memory_space<vmem>>, vector<16xf32>,
          %add3A_527 = arith.addf %while3A_371, %get3A_526 : vector<16xf32>
          %get3A_528 = arith.index_cast %select_n3A_299 : i32 to index
          %get3A_529 = arith.index_cast %while3A_340 : i32 to index
          %get3A_530 = arith.constant 496 : index
          %get3A_531 = tpu.vector_load %arg5[%get3A_528, %get3A_529, %get3A_530] {strides = array<i32>} : memref<4x32x512xf32, #tpu.memory_space<vmem>>, vector<16xf32>,
          %add3A_532 = arith.addf %while3A_372, %get3A_531 : vector<16xf32>
          scf.yield %add3A_377, %add3A_382, %add3A_387, %add3A_392, %add3A_397, %add3A_402, %add3A_407, %add3A_412, %add3A_417, %add3A_422, %add3A_427, %add3A_432, %add3A_437, %add3A_442, %add3A_447, %add3A_452, %add3A_457, %add3A_462, %add3A_467, %add3A_472, %add3A_477, %add3A_482, %add3A_487, %add3A_492, %add3A_497, %add3A_502, %add3A_507, %add3A_512, %add3A_517, %add3A_522, %add3A_527, %add3A_532 : vector<16xf32>, vector<16xf32>, vector<16xf32>, vector<16xf32>, vector<16xf32>, vector<16xf32>, vector<16xf32>, vector<16xf32>, vector<16xf32>, vector<16xf32>, vector<16xf32>, vector<16xf32>, vector<16xf32>, vector<16xf32>, vector<16xf32>, vector<16xf32>, vector<16xf32>, vector<16xf32>, vector<16xf32>, vector<16xf32>, vector<16xf32>, vector<16xf32>, vector<16xf32>, vector<16xf32>, vector<16xf32>, vector<16xf32>, vector<16xf32>, vector<16xf32>, vector<16xf32>, vector<16xf32>, vector<16xf32>, vector<16xf32>
        }
        scf.yield %while3A_339#0, %while3A_339#1, %while3A_339#2, %while3A_339#3, %while3A_339#4, %while3A_339#5, %while3A_339#6, %while3A_339#7, %while3A_339#8, %while3A_339#9, %while3A_339#10, %while3A_339#11, %while3A_339#12, %while3A_339#13, %while3A_339#14, %while3A_339#15, %while3A_339#16, %while3A_339#17, %while3A_339#18, %while3A_339#19, %while3A_339#20, %while3A_339#21, %while3A_339#22, %while3A_339#23, %while3A_339#24, %while3A_339#25, %while3A_339#26, %while3A_339#27, %while3A_339#28, %while3A_339#29, %while3A_339#30, %while3A_339#31 : vector<16xf32>, vector<16xf32>, vector<16xf32>, vector<16xf32>, vector<16xf32>, vector<16xf32>, vector<16xf32>, vector<16xf32>, vector<16xf32>, vector<16xf32>, vector<16xf32>, vector<16xf32>, vector<16xf32>, vector<16xf32>, vector<16xf32>, vector<16xf32>, vector<16xf32>, vector<16xf32>, vector<16xf32>, vector<16xf32>, vector<16xf32>, vector<16xf32>, vector<16xf32>, vector<16xf32>, vector<16xf32>, vector<16xf32>, vector<16xf32>, vector<16xf32>, vector<16xf32>, vector<16xf32>, vector<16xf32>, vector<16xf32>
      }
      %while3A_154 = arith.constant 1 : i32
      %while3A_155:32 = scf.for %while3A_252 = %while3A_151 to %while3A_147 step %while3A_154 iter_args(%while3A_253 = %while3A_153#0, %while3A_254 = %while3A_153#1, %while3A_255 = %while3A_153#2, %while3A_256 = %while3A_153#3, %while3A_257 = %while3A_153#4, %while3A_258 = %while3A_153#5, %while3A_259 = %while3A_153#6, %while3A_260 = %while3A_153#7, %while3A_261 = %while3A_153#8, %while3A_262 = %while3A_153#9, %while3A_263 = %while3A_153#10, %while3A_264 = %while3A_153#11, %while3A_265 = %while3A_153#12, %while3A_266 = %while3A_153#13, %while3A_267 = %while3A_153#14, %while3A_268 = %while3A_153#15, %while3A_269 = %while3A_153#16, %while3A_270 = %while3A_153#17, %while3A_271 = %while3A_153#18, %while3A_272 = %while3A_153#19, %while3A_273 = %while3A_153#20, %while3A_274 = %while3A_153#21, %while3A_275 = %while3A_153#22, %while3A_276 = %while3A_153#23, %while3A_277 = %while3A_153#24, %while3A_278 = %while3A_153#25, %while3A_279 = %while3A_153#26, %while3A_280 = %while3A_153#27, %while3A_281 = %while3A_153#28, %while3A_282 = %while3A_153#29, %while3A_283 = %while3A_153#30, %while3A_284 = %while3A_153#31) -> (vector<16xf32>, vector<16xf32>, vector<16xf32>, vector<16xf32>, vector<16xf32>, vector<16xf32>, vector<16xf32>, vector<16xf32>, vector<16xf32>, vector<16xf32>, vector<16xf32>, vector<16xf32>, vector<16xf32>, vector<16xf32>, vector<16xf32>, vector<16xf32>, vector<16xf32>, vector<16xf32>, vector<16xf32>, vector<16xf32>, vector<16xf32>, vector<16xf32>, vector<16xf32>, vector<16xf32>, vector<16xf32>, vector<16xf32>, vector<16xf32>, vector<16xf32>, vector<16xf32>, vector<16xf32>, vector<16xf32>, vector<16xf32>)  : i32 {
        %jit3A_285 = arith.constant 4 : i32
        %eq3A_286 = arith.constant 0 : i32
        %eq3A_287 = arith.cmpi eq, %jit3A_285, %eq3A_286 : i32
        %jit3A_288 = arith.constant 1 : i32
        %select_n3A_289 = arith.select %eq3A_287, %jit3A_288, %jit3A_285 : i32
        %rem3A_290 = arith.remsi %while3A_252, %select_n3A_289 : i32
        %ne3A_291 = arith.constant 0 : i32
        %ne3A_292 = arith.cmpi ne, %rem3A_290, %ne3A_291 : i32
        %lt3A = arith.constant 0 : i32
        %lt3A_293 = arith.cmpi slt, %rem3A_290, %lt3A : i32
        %lt3A_294 = arith.constant 0 : i32
        %lt3A_295 = arith.cmpi slt, %select_n3A_289, %lt3A_294 : i32
        %ne3A_296 = arith.xori %lt3A_293, %lt3A_295 : i1
        %and3A_297 = arith.andi %ne3A_296, %ne3A_292 : i1
        %add3A_298 = arith.addi %rem3A_290, %select_n3A_289 : i32
        %select_n3A_299 = arith.select %and3A_297, %add3A_298, %rem3A_290 : i32
        %add3A_300 = arith.constant 3 : i32
        %add3A_301 = arith.addi %while3A_252, %add3A_300 : i32
        %lt3A_302 = arith.cmpi slt, %add3A_301, %select_n3A_131 : i32
        %convert_element_type3A_303 = arith.extui %lt3A_302 : i1 to i32
        %cond3A_304 = arith.constant 0 : i32
        %cond3A_305 = arith.cmpi ne, %convert_element_type3A_303, %cond3A_304 : i32
        scf.if %cond3A_305 {
          %add3A_340 = arith.constant 4 : i32
          %add3A_341 = arith.addi %while3A_252, %add3A_340 : i32
          %sub3A_342 = arith.constant 1 : i32
          %sub3A_343 = arith.subi %add3A_341, %sub3A_342 : i32
          %mul3A_344 = arith.constant 32 : i32
          %mul3A_345 = arith.muli %sub3A_343, %mul3A_344 : i32
          %add3A_346 = arith.addi %mul3A_100, %mul3A_345 : i32
          %add3A_347 = arith.constant 4 : i32
          %add3A_348 = arith.addi %while3A_252, %add3A_347 : i32
          %sub3A_349 = arith.constant 1 : i32
          %sub3A_350 = arith.subi %add3A_348, %sub3A_349 : i32
          %jit3A_351 = arith.constant 4 : i32
          %eq3A_352 = arith.constant 0 : i32
          %eq3A_353 = arith.cmpi eq, %jit3A_351, %eq3A_352 : i32
          %jit3A_354 = arith.constant 1 : i32
          %select_n3A_355 = arith.select %eq3A_353, %jit3A_354, %jit3A_351 : i32
          %rem3A_356 = arith.remsi %sub3A_350, %select_n3A_355 : i32
          %ne3A_357 = arith.constant 0 : i32
          %ne3A_358 = arith.cmpi ne, %rem3A_356, %ne3A_357 : i32
          %lt3A_359 = arith.constant 0 : i32
          %lt3A_360 = arith.cmpi slt, %rem3A_356, %lt3A_359 : i32
          %lt3A_361 = arith.constant 0 : i32
          %lt3A_362 = arith.cmpi slt, %select_n3A_355, %lt3A_361 : i32
          %ne3A_363 = arith.xori %lt3A_360, %lt3A_362 : i1
          %and3A_364 = arith.andi %ne3A_363, %ne3A_358 : i1
          %add3A_365 = arith.addi %rem3A_356, %select_n3A_355 : i32
          %select_n3A_366 = arith.select %and3A_364, %add3A_365, %rem3A_356 : i32
          %dma_start3A = arith.constant 0 : i32
          %dma_start3A_367 = arith.constant 0 : i32
          %dma_start3A_368 = tpu.memref_slice %arg5[%select_n3A_366, %dma_start3A, %dma_start3A_367] : memref<4x32x512xf32, #tpu.memory_space<vmem>> -> memref<1x32x512xf32, #tpu.memory_space<vmem>>
          %dma_start3A_369 = tpu.memref_squeeze %dma_start3A_368 : memref<1x32x512xf32, #tpu.memory_space<vmem>> -> memref<32x512xf32, #tpu.memory_space<vmem>>
          %dma_start3A_370 = tpu.memref_slice %arg2[%scan3A_53, %add3A_346, %mul3A_0] : memref<16x4096x1024xf32, #tpu.memory_space<hbm>> -> memref<1x32x512xf32, #tpu.memory_space<hbm>>
          %dma_start3A_371 = tpu.memref_squeeze %dma_start3A_370 : memref<1x32x512xf32, #tpu.memory_space<hbm>> -> memref<32x512xf32, #tpu.memory_space<hbm>>
          %dma_start3A_372 = tpu.memref_slice %arg12[%select_n3A_366] : memref<4x!tpu.dma_semaphore, #tpu.memory_space<semaphore_mem>> -> memref<1x!tpu.dma_semaphore, #tpu.memory_space<semaphore_mem>>
          %dma_start3A_373 = tpu.memref_squeeze %dma_start3A_372 : memref<1x!tpu.dma_semaphore, #tpu.memory_space<semaphore_mem>> -> memref<!tpu.dma_semaphore, #tpu.memory_space<semaphore_mem>>
          %dma_start3A_374 = arith.constant 0 : i32
          %dma_start3A_375 = arith.constant 0 : i32
          %dma_start3A_376 = tpu.memref_slice %arg5[%select_n3A_366, %dma_start3A_374, %dma_start3A_375] : memref<4x32x512xf32, #tpu.memory_space<vmem>> -> memref<1x32x512xf32, #tpu.memory_space<vmem>>
          %dma_start3A_377 = tpu.memref_squeeze %dma_start3A_376 : memref<1x32x512xf32, #tpu.memory_space<vmem>> -> memref<32x512xf32, #tpu.memory_space<vmem>>
          %dma_start3A_378 = tpu.memref_slice %arg2[%scan3A_53, %add3A_346, %mul3A_0] : memref<16x4096x1024xf32, #tpu.memory_space<hbm>> -> memref<1x32x512xf32, #tpu.memory_space<hbm>>
          %dma_start3A_379 = tpu.memref_squeeze %dma_start3A_378 : memref<1x32x512xf32, #tpu.memory_space<hbm>> -> memref<32x512xf32, #tpu.memory_space<hbm>>
          tpu.enqueue_dma source(%dma_start3A_379 : memref<32x512xf32, #tpu.memory_space<hbm>>) target(%dma_start3A_377 : memref<32x512xf32, #tpu.memory_space<vmem>>) target_semaphore(%dma_start3A_373 : memref<!tpu.dma_semaphore, #tpu.memory_space<semaphore_mem>>)
        } else {
        }
        %dma_wait3A = arith.constant 0 : i32
        %dma_wait3A_306 = arith.constant 0 : i32
        %dma_wait3A_307 = tpu.memref_slice %arg5[%select_n3A_299, %dma_wait3A, %dma_wait3A_306] : memref<4x32x512xf32, #tpu.memory_space<vmem>> -> memref<1x32x512xf32, #tpu.memory_space<vmem>>
        %dma_wait3A_308 = tpu.memref_squeeze %dma_wait3A_307 : memref<1x32x512xf32, #tpu.memory_space<vmem>> -> memref<32x512xf32, #tpu.memory_space<vmem>>
        %dma_wait3A_309 = arith.constant 0 : i32
        %dma_wait3A_310 = tpu.memref_slice %arg2[%scan3A_53, %dma_wait3A_309, %mul3A_0] : memref<16x4096x1024xf32, #tpu.memory_space<hbm>> -> memref<1x32x512xf32, #tpu.memory_space<hbm>>
        %dma_wait3A_311 = tpu.memref_squeeze %dma_wait3A_310 : memref<1x32x512xf32, #tpu.memory_space<hbm>> -> memref<32x512xf32, #tpu.memory_space<hbm>>
        %dma_wait3A_312 = tpu.memref_slice %arg12[%select_n3A_299] : memref<4x!tpu.dma_semaphore, #tpu.memory_space<semaphore_mem>> -> memref<1x!tpu.dma_semaphore, #tpu.memory_space<semaphore_mem>>
        %dma_wait3A_313 = tpu.memref_squeeze %dma_wait3A_312 : memref<1x!tpu.dma_semaphore, #tpu.memory_space<semaphore_mem>> -> memref<!tpu.dma_semaphore, #tpu.memory_space<semaphore_mem>>
        %dma_wait3A_314 = arith.constant 0 : i32
        %dma_wait3A_315 = arith.constant 0 : i32
        %dma_wait3A_316 = tpu.memref_slice %arg5[%select_n3A_299, %dma_wait3A_314, %dma_wait3A_315] : memref<4x32x512xf32, #tpu.memory_space<vmem>> -> memref<1x32x512xf32, #tpu.memory_space<vmem>>
        %dma_wait3A_317 = tpu.memref_squeeze %dma_wait3A_316 : memref<1x32x512xf32, #tpu.memory_space<vmem>> -> memref<32x512xf32, #tpu.memory_space<vmem>>
        %dma_wait3A_318 = arith.constant 0 : i32
        %dma_wait3A_319 = tpu.memref_slice %arg2[%scan3A_53, %dma_wait3A_318, %mul3A_0] : memref<16x4096x1024xf32, #tpu.memory_space<hbm>> -> memref<1x32x512xf32, #tpu.memory_space<hbm>>
        %dma_wait3A_320 = tpu.memref_squeeze %dma_wait3A_319 : memref<1x32x512xf32, #tpu.memory_space<hbm>> -> memref<32x512xf32, #tpu.memory_space<hbm>>
        tpu.wait_dma2 semaphore(%dma_wait3A_313 : memref<!tpu.dma_semaphore, #tpu.memory_space<semaphore_mem>>) src(%dma_wait3A_320 : memref<32x512xf32, #tpu.memory_space<hbm>>) dst(%dma_wait3A_317 : memref<32x512xf32, #tpu.memory_space<vmem>>)
        %mul3A_321 = arith.constant 32 : i32
        %mul3A_322 = arith.muli %while3A_252, %mul3A_321 : i32
        %add3A_323 = arith.addi %mul3A_100, %mul3A_322 : i32
        %sub3A_324 = arith.subi %max3A_72, %add3A_323 : i32
        %max3A_325 = arith.constant 0 : i32
        %max3A_326 = arith.maxsi %sub3A_324, %max3A_325 : i32
        %sub3A_327 = arith.subi %min3A_74, %add3A_323 : i32
        %min3A_328 = arith.constant 32 : i32
        %min3A_329 = arith.minsi %sub3A_327, %min3A_328 : i32
        %while3A_330 = arith.subi %min3A_329, %max3A_326 : i32
        %while3A_331 = arith.addi %max3A_326, %while3A_330 : i32
        %while3A_332 = arith.constant 1 : i32
        %while3A_333 = arith.divsi %while3A_330, %while3A_332 : i32
        %while3A_334 = arith.muli %while3A_333, %while3A_332 : i32
        %while3A_335 = arith.addi %max3A_326, %while3A_334 : i32
        %while3A_336 = arith.constant 1 : i32
        %while3A_337:32 = scf.for %while3A_340 = %max3A_326 to %while3A_335 step %while3A_336 iter_args(%while3A_341 = %while3A_253, %while3A_342 = %while3A_254, %while3A_343 = %while3A_255, %while3A_344 = %while3A_256, %while3A_345 = %while3A_257, %while3A_346 = %while3A_258, %while3A_347 = %while3A_259, %while3A_348 = %while3A_260, %while3A_349 = %while3A_261, %while3A_350 = %while3A_262, %while3A_351 = %while3A_263, %while3A_352 = %while3A_264, %while3A_353 = %while3A_265, %while3A_354 = %while3A_266, %while3A_355 = %while3A_267, %while3A_356 = %while3A_268, %while3A_357 = %while3A_269, %while3A_358 = %while3A_270, %while3A_359 = %while3A_271, %while3A_360 = %while3A_272, %while3A_361 = %while3A_273, %while3A_362 = %while3A_274, %while3A_363 = %while3A_275, %while3A_364 = %while3A_276, %while3A_365 = %while3A_277, %while3A_366 = %while3A_278, %while3A_367 = %while3A_279, %while3A_368 = %while3A_280, %while3A_369 = %while3A_281, %while3A_370 = %while3A_282, %while3A_371 = %while3A_283, %while3A_372 = %while3A_284) -> (vector<16xf32>, vector<16xf32>, vector<16xf32>, vector<16xf32>, vector<16xf32>, vector<16xf32>, vector<16xf32>, vector<16xf32>, vector<16xf32>, vector<16xf32>, vector<16xf32>, vector<16xf32>, vector<16xf32>, vector<16xf32>, vector<16xf32>, vector<16xf32>, vector<16xf32>, vector<16xf32>, vector<16xf32>, vector<16xf32>, vector<16xf32>, vector<16xf32>, vector<16xf32>, vector<16xf32>, vector<16xf32>, vector<16xf32>, vector<16xf32>, vector<16xf32>, vector<16xf32>, vector<16xf32>, vector<16xf32>, vector<16xf32>)  : i32 {
          %get3A_373 = arith.index_cast %select_n3A_299 : i32 to index
          %get3A_374 = arith.index_cast %while3A_340 : i32 to index
          %get3A_375 = arith.constant 0 : index
          %get3A_376 = tpu.vector_load %arg5[%get3A_373, %get3A_374, %get3A_375] {strides = array<i32>} : memref<4x32x512xf32, #tpu.memory_space<vmem>>, vector<16xf32>,
          %add3A_377 = arith.addf %while3A_341, %get3A_376 : vector<16xf32>
          %get3A_378 = arith.index_cast %select_n3A_299 : i32 to index
          %get3A_379 = arith.index_cast %while3A_340 : i32 to index
          %get3A_380 = arith.constant 16 : index
          %get3A_381 = tpu.vector_load %arg5[%get3A_378, %get3A_379, %get3A_380] {strides = array<i32>} : memref<4x32x512xf32, #tpu.memory_space<vmem>>, vector<16xf32>,
          %add3A_382 = arith.addf %while3A_342, %get3A_381 : vector<16xf32>
          %get3A_383 = arith.index_cast %select_n3A_299 : i32 to index
          %get3A_384 = arith.index_cast %while3A_340 : i32 to index
          %get3A_385 = arith.constant 32 : index
          %get3A_386 = tpu.vector_load %arg5[%get3A_383, %get3A_384, %get3A_385] {strides = array<i32>} : memref<4x32x512xf32, #tpu.memory_space<vmem>>, vector<16xf32>,
          %add3A_387 = arith.addf %while3A_343, %get3A_386 : vector<16xf32>
          %get3A_388 = arith.index_cast %select_n3A_299 : i32 to index
          %get3A_389 = arith.index_cast %while3A_340 : i32 to index
          %get3A_390 = arith.constant 48 : index
          %get3A_391 = tpu.vector_load %arg5[%get3A_388, %get3A_389, %get3A_390] {strides = array<i32>} : memref<4x32x512xf32, #tpu.memory_space<vmem>>, vector<16xf32>,
          %add3A_392 = arith.addf %while3A_344, %get3A_391 : vector<16xf32>
          %get3A_393 = arith.index_cast %select_n3A_299 : i32 to index
          %get3A_394 = arith.index_cast %while3A_340 : i32 to index
          %get3A_395 = arith.constant 64 : index
          %get3A_396 = tpu.vector_load %arg5[%get3A_393, %get3A_394, %get3A_395] {strides = array<i32>} : memref<4x32x512xf32, #tpu.memory_space<vmem>>, vector<16xf32>,
          %add3A_397 = arith.addf %while3A_345, %get3A_396 : vector<16xf32>
          %get3A_398 = arith.index_cast %select_n3A_299 : i32 to index
          %get3A_399 = arith.index_cast %while3A_340 : i32 to index
          %get3A_400 = arith.constant 80 : index
          %get3A_401 = tpu.vector_load %arg5[%get3A_398, %get3A_399, %get3A_400] {strides = array<i32>} : memref<4x32x512xf32, #tpu.memory_space<vmem>>, vector<16xf32>,
          %add3A_402 = arith.addf %while3A_346, %get3A_401 : vector<16xf32>
          %get3A_403 = arith.index_cast %select_n3A_299 : i32 to index
          %get3A_404 = arith.index_cast %while3A_340 : i32 to index
          %get3A_405 = arith.constant 96 : index
          %get3A_406 = tpu.vector_load %arg5[%get3A_403, %get3A_404, %get3A_405] {strides = array<i32>} : memref<4x32x512xf32, #tpu.memory_space<vmem>>, vector<16xf32>,
          %add3A_407 = arith.addf %while3A_347, %get3A_406 : vector<16xf32>
          %get3A_408 = arith.index_cast %select_n3A_299 : i32 to index
          %get3A_409 = arith.index_cast %while3A_340 : i32 to index
          %get3A_410 = arith.constant 112 : index
          %get3A_411 = tpu.vector_load %arg5[%get3A_408, %get3A_409, %get3A_410] {strides = array<i32>} : memref<4x32x512xf32, #tpu.memory_space<vmem>>, vector<16xf32>,
          %add3A_412 = arith.addf %while3A_348, %get3A_411 : vector<16xf32>
          %get3A_413 = arith.index_cast %select_n3A_299 : i32 to index
          %get3A_414 = arith.index_cast %while3A_340 : i32 to index
          %get3A_415 = arith.constant 128 : index
          %get3A_416 = tpu.vector_load %arg5[%get3A_413, %get3A_414, %get3A_415] {strides = array<i32>} : memref<4x32x512xf32, #tpu.memory_space<vmem>>, vector<16xf32>,
          %add3A_417 = arith.addf %while3A_349, %get3A_416 : vector<16xf32>
          %get3A_418 = arith.index_cast %select_n3A_299 : i32 to index
          %get3A_419 = arith.index_cast %while3A_340 : i32 to index
          %get3A_420 = arith.constant 144 : index
          %get3A_421 = tpu.vector_load %arg5[%get3A_418, %get3A_419, %get3A_420] {strides = array<i32>} : memref<4x32x512xf32, #tpu.memory_space<vmem>>, vector<16xf32>,
          %add3A_422 = arith.addf %while3A_350, %get3A_421 : vector<16xf32>
          %get3A_423 = arith.index_cast %select_n3A_299 : i32 to index
          %get3A_424 = arith.index_cast %while3A_340 : i32 to index
          %get3A_425 = arith.constant 160 : index
          %get3A_426 = tpu.vector_load %arg5[%get3A_423, %get3A_424, %get3A_425] {strides = array<i32>} : memref<4x32x512xf32, #tpu.memory_space<vmem>>, vector<16xf32>,
          %add3A_427 = arith.addf %while3A_351, %get3A_426 : vector<16xf32>
          %get3A_428 = arith.index_cast %select_n3A_299 : i32 to index
          %get3A_429 = arith.index_cast %while3A_340 : i32 to index
          %get3A_430 = arith.constant 176 : index
          %get3A_431 = tpu.vector_load %arg5[%get3A_428, %get3A_429, %get3A_430] {strides = array<i32>} : memref<4x32x512xf32, #tpu.memory_space<vmem>>, vector<16xf32>,
          %add3A_432 = arith.addf %while3A_352, %get3A_431 : vector<16xf32>
          %get3A_433 = arith.index_cast %select_n3A_299 : i32 to index
          %get3A_434 = arith.index_cast %while3A_340 : i32 to index
          %get3A_435 = arith.constant 192 : index
          %get3A_436 = tpu.vector_load %arg5[%get3A_433, %get3A_434, %get3A_435] {strides = array<i32>} : memref<4x32x512xf32, #tpu.memory_space<vmem>>, vector<16xf32>,
          %add3A_437 = arith.addf %while3A_353, %get3A_436 : vector<16xf32>
          %get3A_438 = arith.index_cast %select_n3A_299 : i32 to index
          %get3A_439 = arith.index_cast %while3A_340 : i32 to index
          %get3A_440 = arith.constant 208 : index
          %get3A_441 = tpu.vector_load %arg5[%get3A_438, %get3A_439, %get3A_440] {strides = array<i32>} : memref<4x32x512xf32, #tpu.memory_space<vmem>>, vector<16xf32>,
          %add3A_442 = arith.addf %while3A_354, %get3A_441 : vector<16xf32>
          %get3A_443 = arith.index_cast %select_n3A_299 : i32 to index
          %get3A_444 = arith.index_cast %while3A_340 : i32 to index
          %get3A_445 = arith.constant 224 : index
          %get3A_446 = tpu.vector_load %arg5[%get3A_443, %get3A_444, %get3A_445] {strides = array<i32>} : memref<4x32x512xf32, #tpu.memory_space<vmem>>, vector<16xf32>,
          %add3A_447 = arith.addf %while3A_355, %get3A_446 : vector<16xf32>
          %get3A_448 = arith.index_cast %select_n3A_299 : i32 to index
          %get3A_449 = arith.index_cast %while3A_340 : i32 to index
          %get3A_450 = arith.constant 240 : index
          %get3A_451 = tpu.vector_load %arg5[%get3A_448, %get3A_449, %get3A_450] {strides = array<i32>} : memref<4x32x512xf32, #tpu.memory_space<vmem>>, vector<16xf32>,
          %add3A_452 = arith.addf %while3A_356, %get3A_451 : vector<16xf32>
          %get3A_453 = arith.index_cast %select_n3A_299 : i32 to index
          %get3A_454 = arith.index_cast %while3A_340 : i32 to index
          %get3A_455 = arith.constant 256 : index
          %get3A_456 = tpu.vector_load %arg5[%get3A_453, %get3A_454, %get3A_455] {strides = array<i32>} : memref<4x32x512xf32, #tpu.memory_space<vmem>>, vector<16xf32>,
          %add3A_457 = arith.addf %while3A_357, %get3A_456 : vector<16xf32>
          %get3A_458 = arith.index_cast %select_n3A_299 : i32 to index
          %get3A_459 = arith.index_cast %while3A_340 : i32 to index
          %get3A_460 = arith.constant 272 : index
          %get3A_461 = tpu.vector_load %arg5[%get3A_458, %get3A_459, %get3A_460] {strides = array<i32>} : memref<4x32x512xf32, #tpu.memory_space<vmem>>, vector<16xf32>,
          %add3A_462 = arith.addf %while3A_358, %get3A_461 : vector<16xf32>
          %get3A_463 = arith.index_cast %select_n3A_299 : i32 to index
          %get3A_464 = arith.index_cast %while3A_340 : i32 to index
          %get3A_465 = arith.constant 288 : index
          %get3A_466 = tpu.vector_load %arg5[%get3A_463, %get3A_464, %get3A_465] {strides = array<i32>} : memref<4x32x512xf32, #tpu.memory_space<vmem>>, vector<16xf32>,
          %add3A_467 = arith.addf %while3A_359, %get3A_466 : vector<16xf32>
          %get3A_468 = arith.index_cast %select_n3A_299 : i32 to index
          %get3A_469 = arith.index_cast %while3A_340 : i32 to index
          %get3A_470 = arith.constant 304 : index
          %get3A_471 = tpu.vector_load %arg5[%get3A_468, %get3A_469, %get3A_470] {strides = array<i32>} : memref<4x32x512xf32, #tpu.memory_space<vmem>>, vector<16xf32>,
          %add3A_472 = arith.addf %while3A_360, %get3A_471 : vector<16xf32>
          %get3A_473 = arith.index_cast %select_n3A_299 : i32 to index
          %get3A_474 = arith.index_cast %while3A_340 : i32 to index
          %get3A_475 = arith.constant 320 : index
          %get3A_476 = tpu.vector_load %arg5[%get3A_473, %get3A_474, %get3A_475] {strides = array<i32>} : memref<4x32x512xf32, #tpu.memory_space<vmem>>, vector<16xf32>,
          %add3A_477 = arith.addf %while3A_361, %get3A_476 : vector<16xf32>
          %get3A_478 = arith.index_cast %select_n3A_299 : i32 to index
          %get3A_479 = arith.index_cast %while3A_340 : i32 to index
          %get3A_480 = arith.constant 336 : index
          %get3A_481 = tpu.vector_load %arg5[%get3A_478, %get3A_479, %get3A_480] {strides = array<i32>} : memref<4x32x512xf32, #tpu.memory_space<vmem>>, vector<16xf32>,
          %add3A_482 = arith.addf %while3A_362, %get3A_481 : vector<16xf32>
          %get3A_483 = arith.index_cast %select_n3A_299 : i32 to index
          %get3A_484 = arith.index_cast %while3A_340 : i32 to index
          %get3A_485 = arith.constant 352 : index
          %get3A_486 = tpu.vector_load %arg5[%get3A_483, %get3A_484, %get3A_485] {strides = array<i32>} : memref<4x32x512xf32, #tpu.memory_space<vmem>>, vector<16xf32>,
          %add3A_487 = arith.addf %while3A_363, %get3A_486 : vector<16xf32>
          %get3A_488 = arith.index_cast %select_n3A_299 : i32 to index
          %get3A_489 = arith.index_cast %while3A_340 : i32 to index
          %get3A_490 = arith.constant 368 : index
          %get3A_491 = tpu.vector_load %arg5[%get3A_488, %get3A_489, %get3A_490] {strides = array<i32>} : memref<4x32x512xf32, #tpu.memory_space<vmem>>, vector<16xf32>,
          %add3A_492 = arith.addf %while3A_364, %get3A_491 : vector<16xf32>
          %get3A_493 = arith.index_cast %select_n3A_299 : i32 to index
          %get3A_494 = arith.index_cast %while3A_340 : i32 to index
          %get3A_495 = arith.constant 384 : index
          %get3A_496 = tpu.vector_load %arg5[%get3A_493, %get3A_494, %get3A_495] {strides = array<i32>} : memref<4x32x512xf32, #tpu.memory_space<vmem>>, vector<16xf32>,
          %add3A_497 = arith.addf %while3A_365, %get3A_496 : vector<16xf32>
          %get3A_498 = arith.index_cast %select_n3A_299 : i32 to index
          %get3A_499 = arith.index_cast %while3A_340 : i32 to index
          %get3A_500 = arith.constant 400 : index
          %get3A_501 = tpu.vector_load %arg5[%get3A_498, %get3A_499, %get3A_500] {strides = array<i32>} : memref<4x32x512xf32, #tpu.memory_space<vmem>>, vector<16xf32>,
          %add3A_502 = arith.addf %while3A_366, %get3A_501 : vector<16xf32>
          %get3A_503 = arith.index_cast %select_n3A_299 : i32 to index
          %get3A_504 = arith.index_cast %while3A_340 : i32 to index
          %get3A_505 = arith.constant 416 : index
          %get3A_506 = tpu.vector_load %arg5[%get3A_503, %get3A_504, %get3A_505] {strides = array<i32>} : memref<4x32x512xf32, #tpu.memory_space<vmem>>, vector<16xf32>,
          %add3A_507 = arith.addf %while3A_367, %get3A_506 : vector<16xf32>
          %get3A_508 = arith.index_cast %select_n3A_299 : i32 to index
          %get3A_509 = arith.index_cast %while3A_340 : i32 to index
          %get3A_510 = arith.constant 432 : index
          %get3A_511 = tpu.vector_load %arg5[%get3A_508, %get3A_509, %get3A_510] {strides = array<i32>} : memref<4x32x512xf32, #tpu.memory_space<vmem>>, vector<16xf32>,
          %add3A_512 = arith.addf %while3A_368, %get3A_511 : vector<16xf32>
          %get3A_513 = arith.index_cast %select_n3A_299 : i32 to index
          %get3A_514 = arith.index_cast %while3A_340 : i32 to index
          %get3A_515 = arith.constant 448 : index
          %get3A_516 = tpu.vector_load %arg5[%get3A_513, %get3A_514, %get3A_515] {strides = array<i32>} : memref<4x32x512xf32, #tpu.memory_space<vmem>>, vector<16xf32>,
          %add3A_517 = arith.addf %while3A_369, %get3A_516 : vector<16xf32>
          %get3A_518 = arith.index_cast %select_n3A_299 : i32 to index
          %get3A_519 = arith.index_cast %while3A_340 : i32 to index
          %get3A_520 = arith.constant 464 : index
          %get3A_521 = tpu.vector_load %arg5[%get3A_518, %get3A_519, %get3A_520] {strides = array<i32>} : memref<4x32x512xf32, #tpu.memory_space<vmem>>, vector<16xf32>,
          %add3A_522 = arith.addf %while3A_370, %get3A_521 : vector<16xf32>
          %get3A_523 = arith.index_cast %select_n3A_299 : i32 to index
          %get3A_524 = arith.index_cast %while3A_340 : i32 to index
          %get3A_525 = arith.constant 480 : index
          %get3A_526 = tpu.vector_load %arg5[%get3A_523, %get3A_524, %get3A_525] {strides = array<i32>} : memref<4x32x512xf32, #tpu.memory_space<vmem>>, vector<16xf32>,
          %add3A_527 = arith.addf %while3A_371, %get3A_526 : vector<16xf32>
          %get3A_528 = arith.index_cast %select_n3A_299 : i32 to index
          %get3A_529 = arith.index_cast %while3A_340 : i32 to index
          %get3A_530 = arith.constant 496 : index
          %get3A_531 = tpu.vector_load %arg5[%get3A_528, %get3A_529, %get3A_530] {strides = array<i32>} : memref<4x32x512xf32, #tpu.memory_space<vmem>>, vector<16xf32>,
          %add3A_532 = arith.addf %while3A_372, %get3A_531 : vector<16xf32>
          scf.yield %add3A_377, %add3A_382, %add3A_387, %add3A_392, %add3A_397, %add3A_402, %add3A_407, %add3A_412, %add3A_417, %add3A_422, %add3A_427, %add3A_432, %add3A_437, %add3A_442, %add3A_447, %add3A_452, %add3A_457, %add3A_462, %add3A_467, %add3A_472, %add3A_477, %add3A_482, %add3A_487, %add3A_492, %add3A_497, %add3A_502, %add3A_507, %add3A_512, %add3A_517, %add3A_522, %add3A_527, %add3A_532 : vector<16xf32>, vector<16xf32>, vector<16xf32>, vector<16xf32>, vector<16xf32>, vector<16xf32>, vector<16xf32>, vector<16xf32>, vector<16xf32>, vector<16xf32>, vector<16xf32>, vector<16xf32>, vector<16xf32>, vector<16xf32>, vector<16xf32>, vector<16xf32>, vector<16xf32>, vector<16xf32>, vector<16xf32>, vector<16xf32>, vector<16xf32>, vector<16xf32>, vector<16xf32>, vector<16xf32>, vector<16xf32>, vector<16xf32>, vector<16xf32>, vector<16xf32>, vector<16xf32>, vector<16xf32>, vector<16xf32>, vector<16xf32>
        }
        %while3A_338 = arith.constant 1 : i32
        %while3A_339:32 = scf.for %while3A_340 = %while3A_335 to %while3A_331 step %while3A_338 iter_args(%while3A_341 = %while3A_337#0, %while3A_342 = %while3A_337#1, %while3A_343 = %while3A_337#2, %while3A_344 = %while3A_337#3, %while3A_345 = %while3A_337#4, %while3A_346 = %while3A_337#5, %while3A_347 = %while3A_337#6, %while3A_348 = %while3A_337#7, %while3A_349 = %while3A_337#8, %while3A_350 = %while3A_337#9, %while3A_351 = %while3A_337#10, %while3A_352 = %while3A_337#11, %while3A_353 = %while3A_337#12, %while3A_354 = %while3A_337#13, %while3A_355 = %while3A_337#14, %while3A_356 = %while3A_337#15, %while3A_357 = %while3A_337#16, %while3A_358 = %while3A_337#17, %while3A_359 = %while3A_337#18, %while3A_360 = %while3A_337#19, %while3A_361 = %while3A_337#20, %while3A_362 = %while3A_337#21, %while3A_363 = %while3A_337#22, %while3A_364 = %while3A_337#23, %while3A_365 = %while3A_337#24, %while3A_366 = %while3A_337#25, %while3A_367 = %while3A_337#26, %while3A_368 = %while3A_337#27, %while3A_369 = %while3A_337#28, %while3A_370 = %while3A_337#29, %while3A_371 = %while3A_337#30, %while3A_372 = %while3A_337#31) -> (vector<16xf32>, vector<16xf32>, vector<16xf32>, vector<16xf32>, vector<16xf32>, vector<16xf32>, vector<16xf32>, vector<16xf32>, vector<16xf32>, vector<16xf32>, vector<16xf32>, vector<16xf32>, vector<16xf32>, vector<16xf32>, vector<16xf32>, vector<16xf32>, vector<16xf32>, vector<16xf32>, vector<16xf32>, vector<16xf32>, vector<16xf32>, vector<16xf32>, vector<16xf32>, vector<16xf32>, vector<16xf32>, vector<16xf32>, vector<16xf32>, vector<16xf32>, vector<16xf32>, vector<16xf32>, vector<16xf32>, vector<16xf32>)  : i32 {
          %get3A_373 = arith.index_cast %select_n3A_299 : i32 to index
          %get3A_374 = arith.index_cast %while3A_340 : i32 to index
          %get3A_375 = arith.constant 0 : index
          %get3A_376 = tpu.vector_load %arg5[%get3A_373, %get3A_374, %get3A_375] {strides = array<i32>} : memref<4x32x512xf32, #tpu.memory_space<vmem>>, vector<16xf32>,
          %add3A_377 = arith.addf %while3A_341, %get3A_376 : vector<16xf32>
          %get3A_378 = arith.index_cast %select_n3A_299 : i32 to index
          %get3A_379 = arith.index_cast %while3A_340 : i32 to index
          %get3A_380 = arith.constant 16 : index
          %get3A_381 = tpu.vector_load %arg5[%get3A_378, %get3A_379, %get3A_380] {strides = array<i32>} : memref<4x32x512xf32, #tpu.memory_space<vmem>>, vector<16xf32>,
          %add3A_382 = arith.addf %while3A_342, %get3A_381 : vector<16xf32>
          %get3A_383 = arith.index_cast %select_n3A_299 : i32 to index
          %get3A_384 = arith.index_cast %while3A_340 : i32 to index
          %get3A_385 = arith.constant 32 : index
          %get3A_386 = tpu.vector_load %arg5[%get3A_383, %get3A_384, %get3A_385] {strides = array<i32>} : memref<4x32x512xf32, #tpu.memory_space<vmem>>, vector<16xf32>,
          %add3A_387 = arith.addf %while3A_343, %get3A_386 : vector<16xf32>
          %get3A_388 = arith.index_cast %select_n3A_299 : i32 to index
          %get3A_389 = arith.index_cast %while3A_340 : i32 to index
          %get3A_390 = arith.constant 48 : index
          %get3A_391 = tpu.vector_load %arg5[%get3A_388, %get3A_389, %get3A_390] {strides = array<i32>} : memref<4x32x512xf32, #tpu.memory_space<vmem>>, vector<16xf32>,
          %add3A_392 = arith.addf %while3A_344, %get3A_391 : vector<16xf32>
          %get3A_393 = arith.index_cast %select_n3A_299 : i32 to index
          %get3A_394 = arith.index_cast %while3A_340 : i32 to index
          %get3A_395 = arith.constant 64 : index
          %get3A_396 = tpu.vector_load %arg5[%get3A_393, %get3A_394, %get3A_395] {strides = array<i32>} : memref<4x32x512xf32, #tpu.memory_space<vmem>>, vector<16xf32>,
          %add3A_397 = arith.addf %while3A_345, %get3A_396 : vector<16xf32>
          %get3A_398 = arith.index_cast %select_n3A_299 : i32 to index
          %get3A_399 = arith.index_cast %while3A_340 : i32 to index
          %get3A_400 = arith.constant 80 : index
          %get3A_401 = tpu.vector_load %arg5[%get3A_398, %get3A_399, %get3A_400] {strides = array<i32>} : memref<4x32x512xf32, #tpu.memory_space<vmem>>, vector<16xf32>,
          %add3A_402 = arith.addf %while3A_346, %get3A_401 : vector<16xf32>
          %get3A_403 = arith.index_cast %select_n3A_299 : i32 to index
          %get3A_404 = arith.index_cast %while3A_340 : i32 to index
          %get3A_405 = arith.constant 96 : index
          %get3A_406 = tpu.vector_load %arg5[%get3A_403, %get3A_404, %get3A_405] {strides = array<i32>} : memref<4x32x512xf32, #tpu.memory_space<vmem>>, vector<16xf32>,
          %add3A_407 = arith.addf %while3A_347, %get3A_406 : vector<16xf32>
          %get3A_408 = arith.index_cast %select_n3A_299 : i32 to index
          %get3A_409 = arith.index_cast %while3A_340 : i32 to index
          %get3A_410 = arith.constant 112 : index
          %get3A_411 = tpu.vector_load %arg5[%get3A_408, %get3A_409, %get3A_410] {strides = array<i32>} : memref<4x32x512xf32, #tpu.memory_space<vmem>>, vector<16xf32>,
          %add3A_412 = arith.addf %while3A_348, %get3A_411 : vector<16xf32>
          %get3A_413 = arith.index_cast %select_n3A_299 : i32 to index
          %get3A_414 = arith.index_cast %while3A_340 : i32 to index
          %get3A_415 = arith.constant 128 : index
          %get3A_416 = tpu.vector_load %arg5[%get3A_413, %get3A_414, %get3A_415] {strides = array<i32>} : memref<4x32x512xf32, #tpu.memory_space<vmem>>, vector<16xf32>,
          %add3A_417 = arith.addf %while3A_349, %get3A_416 : vector<16xf32>
          %get3A_418 = arith.index_cast %select_n3A_299 : i32 to index
          %get3A_419 = arith.index_cast %while3A_340 : i32 to index
          %get3A_420 = arith.constant 144 : index
          %get3A_421 = tpu.vector_load %arg5[%get3A_418, %get3A_419, %get3A_420] {strides = array<i32>} : memref<4x32x512xf32, #tpu.memory_space<vmem>>, vector<16xf32>,
          %add3A_422 = arith.addf %while3A_350, %get3A_421 : vector<16xf32>
          %get3A_423 = arith.index_cast %select_n3A_299 : i32 to index
          %get3A_424 = arith.index_cast %while3A_340 : i32 to index
          %get3A_425 = arith.constant 160 : index
          %get3A_426 = tpu.vector_load %arg5[%get3A_423, %get3A_424, %get3A_425] {strides = array<i32>} : memref<4x32x512xf32, #tpu.memory_space<vmem>>, vector<16xf32>,
          %add3A_427 = arith.addf %while3A_351, %get3A_426 : vector<16xf32>
          %get3A_428 = arith.index_cast %select_n3A_299 : i32 to index
          %get3A_429 = arith.index_cast %while3A_340 : i32 to index
          %get3A_430 = arith.constant 176 : index
          %get3A_431 = tpu.vector_load %arg5[%get3A_428, %get3A_429, %get3A_430] {strides = array<i32>} : memref<4x32x512xf32, #tpu.memory_space<vmem>>, vector<16xf32>,
          %add3A_432 = arith.addf %while3A_352, %get3A_431 : vector<16xf32>
          %get3A_433 = arith.index_cast %select_n3A_299 : i32 to index
          %get3A_434 = arith.index_cast %while3A_340 : i32 to index
          %get3A_435 = arith.constant 192 : index
          %get3A_436 = tpu.vector_load %arg5[%get3A_433, %get3A_434, %get3A_435] {strides = array<i32>} : memref<4x32x512xf32, #tpu.memory_space<vmem>>, vector<16xf32>,
          %add3A_437 = arith.addf %while3A_353, %get3A_436 : vector<16xf32>
          %get3A_438 = arith.index_cast %select_n3A_299 : i32 to index
          %get3A_439 = arith.index_cast %while3A_340 : i32 to index
          %get3A_440 = arith.constant 208 : index
          %get3A_441 = tpu.vector_load %arg5[%get3A_438, %get3A_439, %get3A_440] {strides = array<i32>} : memref<4x32x512xf32, #tpu.memory_space<vmem>>, vector<16xf32>,
          %add3A_442 = arith.addf %while3A_354, %get3A_441 : vector<16xf32>
          %get3A_443 = arith.index_cast %select_n3A_299 : i32 to index
          %get3A_444 = arith.index_cast %while3A_340 : i32 to index
          %get3A_445 = arith.constant 224 : index
          %get3A_446 = tpu.vector_load %arg5[%get3A_443, %get3A_444, %get3A_445] {strides = array<i32>} : memref<4x32x512xf32, #tpu.memory_space<vmem>>, vector<16xf32>,
          %add3A_447 = arith.addf %while3A_355, %get3A_446 : vector<16xf32>
          %get3A_448 = arith.index_cast %select_n3A_299 : i32 to index
          %get3A_449 = arith.index_cast %while3A_340 : i32 to index
          %get3A_450 = arith.constant 240 : index
          %get3A_451 = tpu.vector_load %arg5[%get3A_448, %get3A_449, %get3A_450] {strides = array<i32>} : memref<4x32x512xf32, #tpu.memory_space<vmem>>, vector<16xf32>,
          %add3A_452 = arith.addf %while3A_356, %get3A_451 : vector<16xf32>
          %get3A_453 = arith.index_cast %select_n3A_299 : i32 to index
          %get3A_454 = arith.index_cast %while3A_340 : i32 to index
          %get3A_455 = arith.constant 256 : index
          %get3A_456 = tpu.vector_load %arg5[%get3A_453, %get3A_454, %get3A_455] {strides = array<i32>} : memref<4x32x512xf32, #tpu.memory_space<vmem>>, vector<16xf32>,
          %add3A_457 = arith.addf %while3A_357, %get3A_456 : vector<16xf32>
          %get3A_458 = arith.index_cast %select_n3A_299 : i32 to index
          %get3A_459 = arith.index_cast %while3A_340 : i32 to index
          %get3A_460 = arith.constant 272 : index
          %get3A_461 = tpu.vector_load %arg5[%get3A_458, %get3A_459, %get3A_460] {strides = array<i32>} : memref<4x32x512xf32, #tpu.memory_space<vmem>>, vector<16xf32>,
          %add3A_462 = arith.addf %while3A_358, %get3A_461 : vector<16xf32>
          %get3A_463 = arith.index_cast %select_n3A_299 : i32 to index
          %get3A_464 = arith.index_cast %while3A_340 : i32 to index
          %get3A_465 = arith.constant 288 : index
          %get3A_466 = tpu.vector_load %arg5[%get3A_463, %get3A_464, %get3A_465] {strides = array<i32>} : memref<4x32x512xf32, #tpu.memory_space<vmem>>, vector<16xf32>,
          %add3A_467 = arith.addf %while3A_359, %get3A_466 : vector<16xf32>
          %get3A_468 = arith.index_cast %select_n3A_299 : i32 to index
          %get3A_469 = arith.index_cast %while3A_340 : i32 to index
          %get3A_470 = arith.constant 304 : index
          %get3A_471 = tpu.vector_load %arg5[%get3A_468, %get3A_469, %get3A_470] {strides = array<i32>} : memref<4x32x512xf32, #tpu.memory_space<vmem>>, vector<16xf32>,
          %add3A_472 = arith.addf %while3A_360, %get3A_471 : vector<16xf32>
          %get3A_473 = arith.index_cast %select_n3A_299 : i32 to index
          %get3A_474 = arith.index_cast %while3A_340 : i32 to index
          %get3A_475 = arith.constant 320 : index
          %get3A_476 = tpu.vector_load %arg5[%get3A_473, %get3A_474, %get3A_475] {strides = array<i32>} : memref<4x32x512xf32, #tpu.memory_space<vmem>>, vector<16xf32>,
          %add3A_477 = arith.addf %while3A_361, %get3A_476 : vector<16xf32>
          %get3A_478 = arith.index_cast %select_n3A_299 : i32 to index
          %get3A_479 = arith.index_cast %while3A_340 : i32 to index
          %get3A_480 = arith.constant 336 : index
          %get3A_481 = tpu.vector_load %arg5[%get3A_478, %get3A_479, %get3A_480] {strides = array<i32>} : memref<4x32x512xf32, #tpu.memory_space<vmem>>, vector<16xf32>,
          %add3A_482 = arith.addf %while3A_362, %get3A_481 : vector<16xf32>
          %get3A_483 = arith.index_cast %select_n3A_299 : i32 to index
          %get3A_484 = arith.index_cast %while3A_340 : i32 to index
          %get3A_485 = arith.constant 352 : index
          %get3A_486 = tpu.vector_load %arg5[%get3A_483, %get3A_484, %get3A_485] {strides = array<i32>} : memref<4x32x512xf32, #tpu.memory_space<vmem>>, vector<16xf32>,
          %add3A_487 = arith.addf %while3A_363, %get3A_486 : vector<16xf32>
          %get3A_488 = arith.index_cast %select_n3A_299 : i32 to index
          %get3A_489 = arith.index_cast %while3A_340 : i32 to index
          %get3A_490 = arith.constant 368 : index
          %get3A_491 = tpu.vector_load %arg5[%get3A_488, %get3A_489, %get3A_490] {strides = array<i32>} : memref<4x32x512xf32, #tpu.memory_space<vmem>>, vector<16xf32>,
          %add3A_492 = arith.addf %while3A_364, %get3A_491 : vector<16xf32>
          %get3A_493 = arith.index_cast %select_n3A_299 : i32 to index
          %get3A_494 = arith.index_cast %while3A_340 : i32 to index
          %get3A_495 = arith.constant 384 : index
          %get3A_496 = tpu.vector_load %arg5[%get3A_493, %get3A_494, %get3A_495] {strides = array<i32>} : memref<4x32x512xf32, #tpu.memory_space<vmem>>, vector<16xf32>,
          %add3A_497 = arith.addf %while3A_365, %get3A_496 : vector<16xf32>
          %get3A_498 = arith.index_cast %select_n3A_299 : i32 to index
          %get3A_499 = arith.index_cast %while3A_340 : i32 to index
          %get3A_500 = arith.constant 400 : index
          %get3A_501 = tpu.vector_load %arg5[%get3A_498, %get3A_499, %get3A_500] {strides = array<i32>} : memref<4x32x512xf32, #tpu.memory_space<vmem>>, vector<16xf32>,
          %add3A_502 = arith.addf %while3A_366, %get3A_501 : vector<16xf32>
          %get3A_503 = arith.index_cast %select_n3A_299 : i32 to index
          %get3A_504 = arith.index_cast %while3A_340 : i32 to index
          %get3A_505 = arith.constant 416 : index
          %get3A_506 = tpu.vector_load %arg5[%get3A_503, %get3A_504, %get3A_505] {strides = array<i32>} : memref<4x32x512xf32, #tpu.memory_space<vmem>>, vector<16xf32>,
          %add3A_507 = arith.addf %while3A_367, %get3A_506 : vector<16xf32>
          %get3A_508 = arith.index_cast %select_n3A_299 : i32 to index
          %get3A_509 = arith.index_cast %while3A_340 : i32 to index
          %get3A_510 = arith.constant 432 : index
          %get3A_511 = tpu.vector_load %arg5[%get3A_508, %get3A_509, %get3A_510] {strides = array<i32>} : memref<4x32x512xf32, #tpu.memory_space<vmem>>, vector<16xf32>,
          %add3A_512 = arith.addf %while3A_368, %get3A_511 : vector<16xf32>
          %get3A_513 = arith.index_cast %select_n3A_299 : i32 to index
          %get3A_514 = arith.index_cast %while3A_340 : i32 to index
          %get3A_515 = arith.constant 448 : index
          %get3A_516 = tpu.vector_load %arg5[%get3A_513, %get3A_514, %get3A_515] {strides = array<i32>} : memref<4x32x512xf32, #tpu.memory_space<vmem>>, vector<16xf32>,
          %add3A_517 = arith.addf %while3A_369, %get3A_516 : vector<16xf32>
          %get3A_518 = arith.index_cast %select_n3A_299 : i32 to index
          %get3A_519 = arith.index_cast %while3A_340 : i32 to index
          %get3A_520 = arith.constant 464 : index
          %get3A_521 = tpu.vector_load %arg5[%get3A_518, %get3A_519, %get3A_520] {strides = array<i32>} : memref<4x32x512xf32, #tpu.memory_space<vmem>>, vector<16xf32>,
          %add3A_522 = arith.addf %while3A_370, %get3A_521 : vector<16xf32>
          %get3A_523 = arith.index_cast %select_n3A_299 : i32 to index
          %get3A_524 = arith.index_cast %while3A_340 : i32 to index
          %get3A_525 = arith.constant 480 : index
          %get3A_526 = tpu.vector_load %arg5[%get3A_523, %get3A_524, %get3A_525] {strides = array<i32>} : memref<4x32x512xf32, #tpu.memory_space<vmem>>, vector<16xf32>,
          %add3A_527 = arith.addf %while3A_371, %get3A_526 : vector<16xf32>
          %get3A_528 = arith.index_cast %select_n3A_299 : i32 to index
          %get3A_529 = arith.index_cast %while3A_340 : i32 to index
          %get3A_530 = arith.constant 496 : index
          %get3A_531 = tpu.vector_load %arg5[%get3A_528, %get3A_529, %get3A_530] {strides = array<i32>} : memref<4x32x512xf32, #tpu.memory_space<vmem>>, vector<16xf32>,
          %add3A_532 = arith.addf %while3A_372, %get3A_531 : vector<16xf32>
          scf.yield %add3A_377, %add3A_382, %add3A_387, %add3A_392, %add3A_397, %add3A_402, %add3A_407, %add3A_412, %add3A_417, %add3A_422, %add3A_427, %add3A_432, %add3A_437, %add3A_442, %add3A_447, %add3A_452, %add3A_457, %add3A_462, %add3A_467, %add3A_472, %add3A_477, %add3A_482, %add3A_487, %add3A_492, %add3A_497, %add3A_502, %add3A_507, %add3A_512, %add3A_517, %add3A_522, %add3A_527, %add3A_532 : vector<16xf32>, vector<16xf32>, vector<16xf32>, vector<16xf32>, vector<16xf32>, vector<16xf32>, vector<16xf32>, vector<16xf32>, vector<16xf32>, vector<16xf32>, vector<16xf32>, vector<16xf32>, vector<16xf32>, vector<16xf32>, vector<16xf32>, vector<16xf32>, vector<16xf32>, vector<16xf32>, vector<16xf32>, vector<16xf32>, vector<16xf32>, vector<16xf32>, vector<16xf32>, vector<16xf32>, vector<16xf32>, vector<16xf32>, vector<16xf32>, vector<16xf32>, vector<16xf32>, vector<16xf32>, vector<16xf32>, vector<16xf32>
        }
        scf.yield %while3A_339#0, %while3A_339#1, %while3A_339#2, %while3A_339#3, %while3A_339#4, %while3A_339#5, %while3A_339#6, %while3A_339#7, %while3A_339#8, %while3A_339#9, %while3A_339#10, %while3A_339#11, %while3A_339#12, %while3A_339#13, %while3A_339#14, %while3A_339#15, %while3A_339#16, %while3A_339#17, %while3A_339#18, %while3A_339#19, %while3A_339#20, %while3A_339#21, %while3A_339#22, %while3A_339#23, %while3A_339#24, %while3A_339#25, %while3A_339#26, %while3A_339#27, %while3A_339#28, %while3A_339#29, %while3A_339#30, %while3A_339#31 : vector<16xf32>, vector<16xf32>, vector<16xf32>, vector<16xf32>, vector<16xf32>, vector<16xf32>, vector<16xf32>, vector<16xf32>, vector<16xf32>, vector<16xf32>, vector<16xf32>, vector<16xf32>, vector<16xf32>, vector<16xf32>, vector<16xf32>, vector<16xf32>, vector<16xf32>, vector<16xf32>, vector<16xf32>, vector<16xf32>, vector<16xf32>, vector<16xf32>, vector<16xf32>, vector<16xf32>, vector<16xf32>, vector<16xf32>, vector<16xf32>, vector<16xf32>, vector<16xf32>, vector<16xf32>, vector<16xf32>, vector<16xf32>
      }
      %swap3A_156 = arith.index_cast %scan3A_53 : i32 to index
      %swap3A_157 = arith.constant 0 : index
      %swap3A_158 = tpu.vector_load %arg6[%swap3A_156, %swap3A_157] {strides = array<i32>} : memref<16x512xf32, #tpu.memory_space<vmem>>, vector<16xf32>,
      tpu.vector_store %arg6[%swap3A_156, %swap3A_157], %while3A_155#0 {strides = array<i32>} : memref<16x512xf32, #tpu.memory_space<vmem>>, vector<16xf32>,
      %swap3A_159 = arith.index_cast %scan3A_53 : i32 to index
      %swap3A_160 = arith.constant 16 : index
      %swap3A_161 = tpu.vector_load %arg6[%swap3A_159, %swap3A_160] {strides = array<i32>} : memref<16x512xf32, #tpu.memory_space<vmem>>, vector<16xf32>,
      tpu.vector_store %arg6[%swap3A_159, %swap3A_160], %while3A_155#1 {strides = array<i32>} : memref<16x512xf32, #tpu.memory_space<vmem>>, vector<16xf32>,
      %swap3A_162 = arith.index_cast %scan3A_53 : i32 to index
      %swap3A_163 = arith.constant 32 : index
      %swap3A_164 = tpu.vector_load %arg6[%swap3A_162, %swap3A_163] {strides = array<i32>} : memref<16x512xf32, #tpu.memory_space<vmem>>, vector<16xf32>,
      tpu.vector_store %arg6[%swap3A_162, %swap3A_163], %while3A_155#2 {strides = array<i32>} : memref<16x512xf32, #tpu.memory_space<vmem>>, vector<16xf32>,
      %swap3A_165 = arith.index_cast %scan3A_53 : i32 to index
      %swap3A_166 = arith.constant 48 : index
      %swap3A_167 = tpu.vector_load %arg6[%swap3A_165, %swap3A_166] {strides = array<i32>} : memref<16x512xf32, #tpu.memory_space<vmem>>, vector<16xf32>,
      tpu.vector_store %arg6[%swap3A_165, %swap3A_166], %while3A_155#3 {strides = array<i32>} : memref<16x512xf32, #tpu.memory_space<vmem>>, vector<16xf32>,
      %swap3A_168 = arith.index_cast %scan3A_53 : i32 to index
      %swap3A_169 = arith.constant 64 : index
      %swap3A_170 = tpu.vector_load %arg6[%swap3A_168, %swap3A_169] {strides = array<i32>} : memref<16x512xf32, #tpu.memory_space<vmem>>, vector<16xf32>,
      tpu.vector_store %arg6[%swap3A_168, %swap3A_169], %while3A_155#4 {strides = array<i32>} : memref<16x512xf32, #tpu.memory_space<vmem>>, vector<16xf32>,
      %swap3A_171 = arith.index_cast %scan3A_53 : i32 to index
      %swap3A_172 = arith.constant 80 : index
      %swap3A_173 = tpu.vector_load %arg6[%swap3A_171, %swap3A_172] {strides = array<i32>} : memref<16x512xf32, #tpu.memory_space<vmem>>, vector<16xf32>,
      tpu.vector_store %arg6[%swap3A_171, %swap3A_172], %while3A_155#5 {strides = array<i32>} : memref<16x512xf32, #tpu.memory_space<vmem>>, vector<16xf32>,
      %swap3A_174 = arith.index_cast %scan3A_53 : i32 to index
      %swap3A_175 = arith.constant 96 : index
      %swap3A_176 = tpu.vector_load %arg6[%swap3A_174, %swap3A_175] {strides = array<i32>} : memref<16x512xf32, #tpu.memory_space<vmem>>, vector<16xf32>,
      tpu.vector_store %arg6[%swap3A_174, %swap3A_175], %while3A_155#6 {strides = array<i32>} : memref<16x512xf32, #tpu.memory_space<vmem>>, vector<16xf32>,
      %swap3A_177 = arith.index_cast %scan3A_53 : i32 to index
      %swap3A_178 = arith.constant 112 : index
      %swap3A_179 = tpu.vector_load %arg6[%swap3A_177, %swap3A_178] {strides = array<i32>} : memref<16x512xf32, #tpu.memory_space<vmem>>, vector<16xf32>,
      tpu.vector_store %arg6[%swap3A_177, %swap3A_178], %while3A_155#7 {strides = array<i32>} : memref<16x512xf32, #tpu.memory_space<vmem>>, vector<16xf32>,
      %swap3A_180 = arith.index_cast %scan3A_53 : i32 to index
      %swap3A_181 = arith.constant 128 : index
      %swap3A_182 = tpu.vector_load %arg6[%swap3A_180, %swap3A_181] {strides = array<i32>} : memref<16x512xf32, #tpu.memory_space<vmem>>, vector<16xf32>,
      tpu.vector_store %arg6[%swap3A_180, %swap3A_181], %while3A_155#8 {strides = array<i32>} : memref<16x512xf32, #tpu.memory_space<vmem>>, vector<16xf32>,
      %swap3A_183 = arith.index_cast %scan3A_53 : i32 to index
      %swap3A_184 = arith.constant 144 : index
      %swap3A_185 = tpu.vector_load %arg6[%swap3A_183, %swap3A_184] {strides = array<i32>} : memref<16x512xf32, #tpu.memory_space<vmem>>, vector<16xf32>,
      tpu.vector_store %arg6[%swap3A_183, %swap3A_184], %while3A_155#9 {strides = array<i32>} : memref<16x512xf32, #tpu.memory_space<vmem>>, vector<16xf32>,
      %swap3A_186 = arith.index_cast %scan3A_53 : i32 to index
      %swap3A_187 = arith.constant 160 : index
      %swap3A_188 = tpu.vector_load %arg6[%swap3A_186, %swap3A_187] {strides = array<i32>} : memref<16x512xf32, #tpu.memory_space<vmem>>, vector<16xf32>,
      tpu.vector_store %arg6[%swap3A_186, %swap3A_187], %while3A_155#10 {strides = array<i32>} : memref<16x512xf32, #tpu.memory_space<vmem>>, vector<16xf32>,
      %swap3A_189 = arith.index_cast %scan3A_53 : i32 to index
      %swap3A_190 = arith.constant 176 : index
      %swap3A_191 = tpu.vector_load %arg6[%swap3A_189, %swap3A_190] {strides = array<i32>} : memref<16x512xf32, #tpu.memory_space<vmem>>, vector<16xf32>,
      tpu.vector_store %arg6[%swap3A_189, %swap3A_190], %while3A_155#11 {strides = array<i32>} : memref<16x512xf32, #tpu.memory_space<vmem>>, vector<16xf32>,
      %swap3A_192 = arith.index_cast %scan3A_53 : i32 to index
      %swap3A_193 = arith.constant 192 : index
      %swap3A_194 = tpu.vector_load %arg6[%swap3A_192, %swap3A_193] {strides = array<i32>} : memref<16x512xf32, #tpu.memory_space<vmem>>, vector<16xf32>,
      tpu.vector_store %arg6[%swap3A_192, %swap3A_193], %while3A_155#12 {strides = array<i32>} : memref<16x512xf32, #tpu.memory_space<vmem>>, vector<16xf32>,
      %swap3A_195 = arith.index_cast %scan3A_53 : i32 to index
      %swap3A_196 = arith.constant 208 : index
      %swap3A_197 = tpu.vector_load %arg6[%swap3A_195, %swap3A_196] {strides = array<i32>} : memref<16x512xf32, #tpu.memory_space<vmem>>, vector<16xf32>,
      tpu.vector_store %arg6[%swap3A_195, %swap3A_196], %while3A_155#13 {strides = array<i32>} : memref<16x512xf32, #tpu.memory_space<vmem>>, vector<16xf32>,
      %swap3A_198 = arith.index_cast %scan3A_53 : i32 to index
      %swap3A_199 = arith.constant 224 : index
      %swap3A_200 = tpu.vector_load %arg6[%swap3A_198, %swap3A_199] {strides = array<i32>} : memref<16x512xf32, #tpu.memory_space<vmem>>, vector<16xf32>,
      tpu.vector_store %arg6[%swap3A_198, %swap3A_199], %while3A_155#14 {strides = array<i32>} : memref<16x512xf32, #tpu.memory_space<vmem>>, vector<16xf32>,
      %swap3A_201 = arith.index_cast %scan3A_53 : i32 to index
      %swap3A_202 = arith.constant 240 : index
      %swap3A_203 = tpu.vector_load %arg6[%swap3A_201, %swap3A_202] {strides = array<i32>} : memref<16x512xf32, #tpu.memory_space<vmem>>, vector<16xf32>,
      tpu.vector_store %arg6[%swap3A_201, %swap3A_202], %while3A_155#15 {strides = array<i32>} : memref<16x512xf32, #tpu.memory_space<vmem>>, vector<16xf32>,
      %swap3A_204 = arith.index_cast %scan3A_53 : i32 to index
      %swap3A_205 = arith.constant 256 : index
      %swap3A_206 = tpu.vector_load %arg6[%swap3A_204, %swap3A_205] {strides = array<i32>} : memref<16x512xf32, #tpu.memory_space<vmem>>, vector<16xf32>,
      tpu.vector_store %arg6[%swap3A_204, %swap3A_205], %while3A_155#16 {strides = array<i32>} : memref<16x512xf32, #tpu.memory_space<vmem>>, vector<16xf32>,
      %swap3A_207 = arith.index_cast %scan3A_53 : i32 to index
      %swap3A_208 = arith.constant 272 : index
      %swap3A_209 = tpu.vector_load %arg6[%swap3A_207, %swap3A_208] {strides = array<i32>} : memref<16x512xf32, #tpu.memory_space<vmem>>, vector<16xf32>,
      tpu.vector_store %arg6[%swap3A_207, %swap3A_208], %while3A_155#17 {strides = array<i32>} : memref<16x512xf32, #tpu.memory_space<vmem>>, vector<16xf32>,
      %swap3A_210 = arith.index_cast %scan3A_53 : i32 to index
      %swap3A_211 = arith.constant 288 : index
      %swap3A_212 = tpu.vector_load %arg6[%swap3A_210, %swap3A_211] {strides = array<i32>} : memref<16x512xf32, #tpu.memory_space<vmem>>, vector<16xf32>,
      tpu.vector_store %arg6[%swap3A_210, %swap3A_211], %while3A_155#18 {strides = array<i32>} : memref<16x512xf32, #tpu.memory_space<vmem>>, vector<16xf32>,
      %swap3A_213 = arith.index_cast %scan3A_53 : i32 to index
      %swap3A_214 = arith.constant 304 : index
      %swap3A_215 = tpu.vector_load %arg6[%swap3A_213, %swap3A_214] {strides = array<i32>} : memref<16x512xf32, #tpu.memory_space<vmem>>, vector<16xf32>,
      tpu.vector_store %arg6[%swap3A_213, %swap3A_214], %while3A_155#19 {strides = array<i32>} : memref<16x512xf32, #tpu.memory_space<vmem>>, vector<16xf32>,
      %swap3A_216 = arith.index_cast %scan3A_53 : i32 to index
      %swap3A_217 = arith.constant 320 : index
      %swap3A_218 = tpu.vector_load %arg6[%swap3A_216, %swap3A_217] {strides = array<i32>} : memref<16x512xf32, #tpu.memory_space<vmem>>, vector<16xf32>,
      tpu.vector_store %arg6[%swap3A_216, %swap3A_217], %while3A_155#20 {strides = array<i32>} : memref<16x512xf32, #tpu.memory_space<vmem>>, vector<16xf32>,
      %swap3A_219 = arith.index_cast %scan3A_53 : i32 to index
      %swap3A_220 = arith.constant 336 : index
      %swap3A_221 = tpu.vector_load %arg6[%swap3A_219, %swap3A_220] {strides = array<i32>} : memref<16x512xf32, #tpu.memory_space<vmem>>, vector<16xf32>,
      tpu.vector_store %arg6[%swap3A_219, %swap3A_220], %while3A_155#21 {strides = array<i32>} : memref<16x512xf32, #tpu.memory_space<vmem>>, vector<16xf32>,
      %swap3A_222 = arith.index_cast %scan3A_53 : i32 to index
      %swap3A_223 = arith.constant 352 : index
      %swap3A_224 = tpu.vector_load %arg6[%swap3A_222, %swap3A_223] {strides = array<i32>} : memref<16x512xf32, #tpu.memory_space<vmem>>, vector<16xf32>,
      tpu.vector_store %arg6[%swap3A_222, %swap3A_223], %while3A_155#22 {strides = array<i32>} : memref<16x512xf32, #tpu.memory_space<vmem>>, vector<16xf32>,
      %swap3A_225 = arith.index_cast %scan3A_53 : i32 to index
      %swap3A_226 = arith.constant 368 : index
      %swap3A_227 = tpu.vector_load %arg6[%swap3A_225, %swap3A_226] {strides = array<i32>} : memref<16x512xf32, #tpu.memory_space<vmem>>, vector<16xf32>,
      tpu.vector_store %arg6[%swap3A_225, %swap3A_226], %while3A_155#23 {strides = array<i32>} : memref<16x512xf32, #tpu.memory_space<vmem>>, vector<16xf32>,
      %swap3A_228 = arith.index_cast %scan3A_53 : i32 to index
      %swap3A_229 = arith.constant 384 : index
      %swap3A_230 = tpu.vector_load %arg6[%swap3A_228, %swap3A_229] {strides = array<i32>} : memref<16x512xf32, #tpu.memory_space<vmem>>, vector<16xf32>,
      tpu.vector_store %arg6[%swap3A_228, %swap3A_229], %while3A_155#24 {strides = array<i32>} : memref<16x512xf32, #tpu.memory_space<vmem>>, vector<16xf32>,
      %swap3A_231 = arith.index_cast %scan3A_53 : i32 to index
      %swap3A_232 = arith.constant 400 : index
      %swap3A_233 = tpu.vector_load %arg6[%swap3A_231, %swap3A_232] {strides = array<i32>} : memref<16x512xf32, #tpu.memory_space<vmem>>, vector<16xf32>,
      tpu.vector_store %arg6[%swap3A_231, %swap3A_232], %while3A_155#25 {strides = array<i32>} : memref<16x512xf32, #tpu.memory_space<vmem>>, vector<16xf32>,
      %swap3A_234 = arith.index_cast %scan3A_53 : i32 to index
      %swap3A_235 = arith.constant 416 : index
      %swap3A_236 = tpu.vector_load %arg6[%swap3A_234, %swap3A_235] {strides = array<i32>} : memref<16x512xf32, #tpu.memory_space<vmem>>, vector<16xf32>,
      tpu.vector_store %arg6[%swap3A_234, %swap3A_235], %while3A_155#26 {strides = array<i32>} : memref<16x512xf32, #tpu.memory_space<vmem>>, vector<16xf32>,
      %swap3A_237 = arith.index_cast %scan3A_53 : i32 to index
      %swap3A_238 = arith.constant 432 : index
      %swap3A_239 = tpu.vector_load %arg6[%swap3A_237, %swap3A_238] {strides = array<i32>} : memref<16x512xf32, #tpu.memory_space<vmem>>, vector<16xf32>,
      tpu.vector_store %arg6[%swap3A_237, %swap3A_238], %while3A_155#27 {strides = array<i32>} : memref<16x512xf32, #tpu.memory_space<vmem>>, vector<16xf32>,
      %swap3A_240 = arith.index_cast %scan3A_53 : i32 to index
      %swap3A_241 = arith.constant 448 : index
      %swap3A_242 = tpu.vector_load %arg6[%swap3A_240, %swap3A_241] {strides = array<i32>} : memref<16x512xf32, #tpu.memory_space<vmem>>, vector<16xf32>,
      tpu.vector_store %arg6[%swap3A_240, %swap3A_241], %while3A_155#28 {strides = array<i32>} : memref<16x512xf32, #tpu.memory_space<vmem>>, vector<16xf32>,
      %swap3A_243 = arith.index_cast %scan3A_53 : i32 to index
      %swap3A_244 = arith.constant 464 : index
      %swap3A_245 = tpu.vector_load %arg6[%swap3A_243, %swap3A_244] {strides = array<i32>} : memref<16x512xf32, #tpu.memory_space<vmem>>, vector<16xf32>,
      tpu.vector_store %arg6[%swap3A_243, %swap3A_244], %while3A_155#29 {strides = array<i32>} : memref<16x512xf32, #tpu.memory_space<vmem>>, vector<16xf32>,
      %swap3A_246 = arith.index_cast %scan3A_53 : i32 to index
      %swap3A_247 = arith.constant 480 : index
      %swap3A_248 = tpu.vector_load %arg6[%swap3A_246, %swap3A_247] {strides = array<i32>} : memref<16x512xf32, #tpu.memory_space<vmem>>, vector<16xf32>,
      tpu.vector_store %arg6[%swap3A_246, %swap3A_247], %while3A_155#30 {strides = array<i32>} : memref<16x512xf32, #tpu.memory_space<vmem>>, vector<16xf32>,
      %swap3A_249 = arith.index_cast %scan3A_53 : i32 to index
      %swap3A_250 = arith.constant 496 : index
      %swap3A_251 = tpu.vector_load %arg6[%swap3A_249, %swap3A_250] {strides = array<i32>} : memref<16x512xf32, #tpu.memory_space<vmem>>, vector<16xf32>,
      tpu.vector_store %arg6[%swap3A_249, %swap3A_250], %while3A_155#31 {strides = array<i32>} : memref<16x512xf32, #tpu.memory_space<vmem>>, vector<16xf32>,
    }
    %scan3A_38 = arith.constant 16 : i32
    "tpu.region"() ({
      %run_scoped3A_53 = tpu.sem_alloc : memref<!tpu.dma_semaphore, #tpu.memory_space<semaphore_mem>>
      %dma_start3A = arith.constant 0 : i32
      %dma_start3A_54 = arith.constant 0 : i32
      %dma_start3A_55 = tpu.memref_slice %arg11[%arg1, %dma_start3A, %dma_start3A_54] : memref<16x16x512xf32, #tpu.memory_space<vmem_shared>> -> memref<1x16x512xf32, #tpu.memory_space<vmem_shared>>
      %dma_start3A_56 = tpu.memref_squeeze %dma_start3A_55 : memref<1x16x512xf32, #tpu.memory_space<vmem_shared>> -> memref<16x512xf32, #tpu.memory_space<vmem_shared>>
      %dma_start3A_57 = arith.constant 0 : i32
      %dma_start3A_58 = arith.constant 0 : i32
      %dma_start3A_59 = tpu.memref_slice %arg11[%arg1, %dma_start3A_57, %dma_start3A_58] : memref<16x16x512xf32, #tpu.memory_space<vmem_shared>> -> memref<1x16x512xf32, #tpu.memory_space<vmem_shared>>
      %dma_start3A_60 = tpu.memref_squeeze %dma_start3A_59 : memref<1x16x512xf32, #tpu.memory_space<vmem_shared>> -> memref<16x512xf32, #tpu.memory_space<vmem_shared>>
      tpu.enqueue_dma source(%arg6 : memref<16x512xf32, #tpu.memory_space<vmem>>) target(%dma_start3A_60 : memref<16x512xf32, #tpu.memory_space<vmem_shared>>) target_semaphore(%run_scoped3A_53 : memref<!tpu.dma_semaphore, #tpu.memory_space<semaphore_mem>>)
      %dma_wait3A = arith.constant 0 : i32
      %dma_wait3A_61 = arith.constant 0 : i32
      %dma_wait3A_62 = tpu.memref_slice %arg11[%arg1, %dma_wait3A, %dma_wait3A_61] : memref<16x16x512xf32, #tpu.memory_space<vmem_shared>> -> memref<1x16x512xf32, #tpu.memory_space<vmem_shared>>
      %dma_wait3A_63 = tpu.memref_squeeze %dma_wait3A_62 : memref<1x16x512xf32, #tpu.memory_space<vmem_shared>> -> memref<16x512xf32, #tpu.memory_space<vmem_shared>>
      %dma_wait3A_64 = arith.constant 0 : i32
      %dma_wait3A_65 = arith.constant 0 : i32
      %dma_wait3A_66 = tpu.memref_slice %arg11[%arg1, %dma_wait3A_64, %dma_wait3A_65] : memref<16x16x512xf32, #tpu.memory_space<vmem_shared>> -> memref<1x16x512xf32, #tpu.memory_space<vmem_shared>>
      %dma_wait3A_67 = tpu.memref_squeeze %dma_wait3A_66 : memref<1x16x512xf32, #tpu.memory_space<vmem_shared>> -> memref<16x512xf32, #tpu.memory_space<vmem_shared>>
      tpu.wait_dma2 semaphore(%run_scoped3A_53 : memref<!tpu.dma_semaphore, #tpu.memory_space<semaphore_mem>>) src(%arg6 : memref<16x512xf32, #tpu.memory_space<vmem>>) dst(%dma_wait3A_67 : memref<16x512xf32, #tpu.memory_space<vmem_shared>>)
      tpu.yield
    }) : () -> ()
    %barrier3A = arith.constant 0 : index
    tpu.barrier barrier_id(%barrier3A)
    %run_scoped3A = arith.constant 0 : i32
    "tpu.region"() ({
      %run_scoped3A_53 = tpu.sem_alloc : memref<!tpu.dma_semaphore, #tpu.memory_space<semaphore_mem>>
      %dma_start3A = arith.constant 0 : i32
      %dma_start3A_54 = tpu.memref_slice %arg11[%run_scoped3A, %arg1, %dma_start3A] : memref<16x16x512xf32, #tpu.memory_space<vmem_shared>> -> memref<1x1x512xf32, #tpu.memory_space<vmem_shared>>
      %dma_start3A_55 = tpu.memref_squeeze %dma_start3A_54 : memref<1x1x512xf32, #tpu.memory_space<vmem_shared>> -> memref<512xf32, #tpu.memory_space<vmem_shared>>
      %dma_start3A_56 = arith.constant 0 : i32
      %dma_start3A_57 = tpu.memref_slice %arg11[%run_scoped3A, %arg1, %dma_start3A_56] : memref<16x16x512xf32, #tpu.memory_space<vmem_shared>> -> memref<1x1x512xf32, #tpu.memory_space<vmem_shared>>
      %dma_start3A_58 = tpu.memref_squeeze %dma_start3A_57 : memref<1x1x512xf32, #tpu.memory_space<vmem_shared>> -> memref<512xf32, #tpu.memory_space<vmem_shared>>
      tpu.enqueue_dma source(%dma_start3A_58 : memref<512xf32, #tpu.memory_space<vmem_shared>>) target(%arg10 : memref<512xf32, #tpu.memory_space<vmem>>) target_semaphore(%run_scoped3A_53 : memref<!tpu.dma_semaphore, #tpu.memory_space<semaphore_mem>>)
      %dma_wait3A = arith.constant 0 : i32
      %dma_wait3A_59 = tpu.memref_slice %arg11[%run_scoped3A, %arg1, %dma_wait3A] : memref<16x16x512xf32, #tpu.memory_space<vmem_shared>> -> memref<1x1x512xf32, #tpu.memory_space<vmem_shared>>
      %dma_wait3A_60 = tpu.memref_squeeze %dma_wait3A_59 : memref<1x1x512xf32, #tpu.memory_space<vmem_shared>> -> memref<512xf32, #tpu.memory_space<vmem_shared>>
      %dma_wait3A_61 = arith.constant 0 : i32
      %dma_wait3A_62 = tpu.memref_slice %arg11[%run_scoped3A, %arg1, %dma_wait3A_61] : memref<16x16x512xf32, #tpu.memory_space<vmem_shared>> -> memref<1x1x512xf32, #tpu.memory_space<vmem_shared>>
      %dma_wait3A_63 = tpu.memref_squeeze %dma_wait3A_62 : memref<1x1x512xf32, #tpu.memory_space<vmem_shared>> -> memref<512xf32, #tpu.memory_space<vmem_shared>>
      tpu.wait_dma2 semaphore(%run_scoped3A_53 : memref<!tpu.dma_semaphore, #tpu.memory_space<semaphore_mem>>) src(%dma_wait3A_63 : memref<512xf32, #tpu.memory_space<vmem_shared>>) dst(%arg10 : memref<512xf32, #tpu.memory_space<vmem>>)
      tpu.yield
    }) : () -> ()
    %scan3A_39 = arith.constant 0 : i32
    %scan3A_40 = arith.constant 1 : i32
    %scan3A_41 = arith.constant 15 : i32
    %scan3A_42 = arith.addi %scan3A_40, %scan3A_41 : i32
    %scan3A_43 = arith.constant 1 : i32
    scf.for %scan3A_53 = %scan3A_40 to %scan3A_42 step %scan3A_43  : i32 {
      "tpu.region"() ({
        %run_scoped3A_60 = tpu.sem_alloc : memref<!tpu.dma_semaphore, #tpu.memory_space<semaphore_mem>>
        %dma_start3A = arith.constant 0 : i32
        %dma_start3A_61 = tpu.memref_slice %arg11[%scan3A_53, %arg1, %dma_start3A] : memref<16x16x512xf32, #tpu.memory_space<vmem_shared>> -> memref<1x1x512xf32, #tpu.memory_space<vmem_shared>>
        %dma_start3A_62 = tpu.memref_squeeze %dma_start3A_61 : memref<1x1x512xf32, #tpu.memory_space<vmem_shared>> -> memref<512xf32, #tpu.memory_space<vmem_shared>>
        %dma_start3A_63 = arith.constant 0 : i32
        %dma_start3A_64 = tpu.memref_slice %arg11[%scan3A_53, %arg1, %dma_start3A_63] : memref<16x16x512xf32, #tpu.memory_space<vmem_shared>> -> memref<1x1x512xf32, #tpu.memory_space<vmem_shared>>
        %dma_start3A_65 = tpu.memref_squeeze %dma_start3A_64 : memref<1x1x512xf32, #tpu.memory_space<vmem_shared>> -> memref<512xf32, #tpu.memory_space<vmem_shared>>
        tpu.enqueue_dma source(%dma_start3A_65 : memref<512xf32, #tpu.memory_space<vmem_shared>>) target(%arg9 : memref<512xf32, #tpu.memory_space<vmem>>) target_semaphore(%run_scoped3A_60 : memref<!tpu.dma_semaphore, #tpu.memory_space<semaphore_mem>>)
        %dma_wait3A = arith.constant 0 : i32
        %dma_wait3A_66 = tpu.memref_slice %arg11[%scan3A_53, %arg1, %dma_wait3A] : memref<16x16x512xf32, #tpu.memory_space<vmem_shared>> -> memref<1x1x512xf32, #tpu.memory_space<vmem_shared>>
        %dma_wait3A_67 = tpu.memref_squeeze %dma_wait3A_66 : memref<1x1x512xf32, #tpu.memory_space<vmem_shared>> -> memref<512xf32, #tpu.memory_space<vmem_shared>>
        %dma_wait3A_68 = arith.constant 0 : i32
        %dma_wait3A_69 = tpu.memref_slice %arg11[%scan3A_53, %arg1, %dma_wait3A_68] : memref<16x16x512xf32, #tpu.memory_space<vmem_shared>> -> memref<1x1x512xf32, #tpu.memory_space<vmem_shared>>
        %dma_wait3A_70 = tpu.memref_squeeze %dma_wait3A_69 : memref<1x1x512xf32, #tpu.memory_space<vmem_shared>> -> memref<512xf32, #tpu.memory_space<vmem_shared>>
        tpu.wait_dma2 semaphore(%run_scoped3A_60 : memref<!tpu.dma_semaphore, #tpu.memory_space<semaphore_mem>>) src(%dma_wait3A_70 : memref<512xf32, #tpu.memory_space<vmem_shared>>) dst(%arg9 : memref<512xf32, #tpu.memory_space<vmem>>)
        tpu.yield
      }) : () -> ()
      %scan3A_54 = arith.constant 0 : i32
      %scan3A_55 = arith.constant 0 : i32
      %scan3A_56 = arith.constant 32 : i32
      %scan3A_57 = arith.addi %scan3A_55, %scan3A_56 : i32
      %scan3A_58 = arith.constant 1 : i32
      scf.for %scan3A_60 = %scan3A_55 to %scan3A_57 step %scan3A_58  : i32 {
        %mul3A_61 = arith.constant 16 : i32
        %mul3A_62 = arith.muli %scan3A_60, %mul3A_61 : i32
        %get3A_63 = arith.index_cast %mul3A_62 : i32 to index
        %get3A_64 = tpu.vector_load %arg10[%get3A_63] {strides = array<i32>} : memref<512xf32, #tpu.memory_space<vmem>>, vector<16xf32>,
        %mul3A_65 = arith.constant 16 : i32
        %mul3A_66 = arith.muli %scan3A_60, %mul3A_65 : i32
        %get3A_67 = arith.index_cast %mul3A_66 : i32 to index
        %get3A_68 = tpu.vector_load %arg9[%get3A_67] {strides = array<i32>} : memref<512xf32, #tpu.memory_space<vmem>>, vector<16xf32>,
        %add3A_69 = arith.addf %get3A_64, %get3A_68 : vector<16xf32>
        %mul3A_70 = arith.constant 16 : i32
        %mul3A_71 = arith.muli %scan3A_60, %mul3A_70 : i32
        %swap3A_72 = arith.index_cast %mul3A_71 : i32 to index
        %swap3A_73 = tpu.vector_load %arg10[%swap3A_72] {strides = array<i32>} : memref<512xf32, #tpu.memory_space<vmem>>, vector<16xf32>,
        tpu.vector_store %arg10[%swap3A_72], %add3A_69 {strides = array<i32>} : memref<512xf32, #tpu.memory_space<vmem>>, vector<16xf32>,
      }
      %scan3A_59 = arith.constant 32 : i32
    }
    %scan3A_44 = arith.constant 15 : i32
    %broadcast_in_dim3A_45 = vector.broadcast %arg1 : i32 to vector<16xi32>
    %gather3A = tpu.vector_load_idx %arg8[%broadcast_in_dim3A_45] : memref<16xf32, #tpu.memory_space<vmem>>[vector<16xi32>], vector<16xf32>,
    %scan3A_46 = arith.constant 0 : i32
    %scan3A_47 = arith.constant 0 : i32
    %scan3A_48 = arith.constant 32 : i32
    %scan3A_49 = arith.addi %scan3A_47, %scan3A_48 : i32
    %scan3A_50 = arith.constant 1 : i32
    scf.for %scan3A_53 = %scan3A_47 to %scan3A_49 step %scan3A_50  : i32 {
      %mul3A_54 = arith.constant 16 : i32
      %mul3A_55 = arith.muli %scan3A_53, %mul3A_54 : i32
      %get3A_56 = arith.index_cast %mul3A_55 : i32 to index
      %get3A_57 = tpu.vector_load %arg10[%get3A_56] {strides = array<i32>} : memref<512xf32, #tpu.memory_space<vmem>>, vector<16xf32>,
      %mul3A_58 = arith.mulf %get3A_57, %gather3A : vector<16xf32>
      %mul3A_59 = arith.constant 16 : i32
      %mul3A_60 = arith.muli %scan3A_53, %mul3A_59 : i32
      %swap3A_61 = arith.index_cast %mul3A_60 : i32 to index
      %swap3A_62 = tpu.vector_load %arg10[%swap3A_61] {strides = array<i32>} : memref<512xf32, #tpu.memory_space<vmem>>, vector<16xf32>,
      tpu.vector_store %arg10[%swap3A_61], %mul3A_58 {strides = array<i32>} : memref<512xf32, #tpu.memory_space<vmem>>, vector<16xf32>,
    }
    %scan3A_51 = arith.constant 32 : i32
    %run_scoped3A_52 = arith.constant 0 : i32
    "tpu.region"() ({
      %run_scoped3A_53 = tpu.sem_alloc : memref<!tpu.dma_semaphore, #tpu.memory_space<semaphore_mem>>
      %dma_start3A = tpu.memref_slice %arg4[%arg1, %run_scoped3A_52, %mul3A_0] : memref<16x1x1024xf32, #tpu.memory_space<hbm>> -> memref<1x1x512xf32, #tpu.memory_space<hbm>>
      %dma_start3A_54 = tpu.memref_squeeze %dma_start3A : memref<1x1x512xf32, #tpu.memory_space<hbm>> -> memref<512xf32, #tpu.memory_space<hbm>>
      %dma_start3A_55 = tpu.memref_slice %arg4[%arg1, %run_scoped3A_52, %mul3A_0] : memref<16x1x1024xf32, #tpu.memory_space<hbm>> -> memref<1x1x512xf32, #tpu.memory_space<hbm>>
      %dma_start3A_56 = tpu.memref_squeeze %dma_start3A_55 : memref<1x1x512xf32, #tpu.memory_space<hbm>> -> memref<512xf32, #tpu.memory_space<hbm>>
      tpu.enqueue_dma source(%arg10 : memref<512xf32, #tpu.memory_space<vmem>>) target(%dma_start3A_56 : memref<512xf32, #tpu.memory_space<hbm>>) target_semaphore(%run_scoped3A_53 : memref<!tpu.dma_semaphore, #tpu.memory_space<semaphore_mem>>)
      %dma_wait3A = tpu.memref_slice %arg4[%arg1, %run_scoped3A_52, %mul3A_0] : memref<16x1x1024xf32, #tpu.memory_space<hbm>> -> memref<1x1x512xf32, #tpu.memory_space<hbm>>
      %dma_wait3A_57 = tpu.memref_squeeze %dma_wait3A : memref<1x1x512xf32, #tpu.memory_space<hbm>> -> memref<512xf32, #tpu.memory_space<hbm>>
      %dma_wait3A_58 = tpu.memref_slice %arg4[%arg1, %run_scoped3A_52, %mul3A_0] : memref<16x1x1024xf32, #tpu.memory_space<hbm>> -> memref<1x1x512xf32, #tpu.memory_space<hbm>>
      %dma_wait3A_59 = tpu.memref_squeeze %dma_wait3A_58 : memref<1x1x512xf32, #tpu.memory_space<hbm>> -> memref<512xf32, #tpu.memory_space<hbm>>
      tpu.wait_dma2 semaphore(%run_scoped3A_53 : memref<!tpu.dma_semaphore, #tpu.memory_space<semaphore_mem>>) src(%arg10 : memref<512xf32, #tpu.memory_space<vmem>>) dst(%dma_wait3A_59 : memref<512xf32, #tpu.memory_space<hbm>>)
      tpu.yield
    }) : () -> ()
    return
  }
}

</mosaic_0001>

<sc_bundles>
// kernel: kernel.3.cloned.1.call-start
scs
__scs_entry_jumppad:
0x0: {  	(pc) =	sbr.rel $0x88, $3  }
0x1: {  	(tag) =	ssettag $0x0;
	lr =	simm.s32 $0x1  }
0x2: {  	[smem:$0x3F9F] =	sst lr;
	_ =	strace $0xD0000000  }
0x3: {  	_ = 	snop  }
0x4: {  	_ = 	snop  }
0x5: {  	_ = 	snop  }
0x6: {  	_ = 	snop  }
0x7: {  	_ = 	snop  }
__scs_overlays_trampoline_lowered:
0x8: {  	[smem:$0x3FAE] =	sst s0  }
0x9: {  	[smem:$0x3FAF] =	sst s1  }
0xa: {  	[smem:$0x3FB0] =	sst s2  }
0xb: {  	[smem:$0x3FB1] =	sst s3  }
0xc: {  	[smem:$0x3FB2] =	sst s4  }
0xd: {  	[smem:$0x3FB3] =	sst s5  }
0xe: {  	[smem:$0x3FB4] =	sst s6  }
0xf: {  	[smem:$0x3FB5] =	sst s7  }
0x10: {  	[smem:$0x3FB6] =	sst s8  }
0x11: {  	[smem:$0x3FB7] =	sst s9;
	s0 =	simm.s32 @!p0 $0x0  }
0x12: {  	s1 =	sld [smem:$0x3F9D];
	s0 =	simm.s32 @p0 $0x1  }
0x13: {  	[smem:$0x3FB8] =	sst s0;
	s0 =	simm.s32 @!p1 $0x0  }
0x14: {  	s2 =	sld [smem:$0x3F9C];
	s0 =	simm.s32 @p1 $0x1  }
0x15: {  	[smem:$0x3FB9] =	sst s0;
	s0 =	simm.s32 @!p2 $0x0  }
0x16: {  	s3 =	sld [smem:$0x3FDB];
	s0 =	simm.s32 @p2 $0x1  }
0x17: {  	s4 =	simm.s32 $0x1BF5;
	[smem:$0x3FBB] =	sst s0  }
0x18: {  	s0 =	sld [smem:$0x3F9E];
	_ =	swait.ge [sflag:s4], $0x0  }
0x19: {  	s7 =	sld [smem:$0x3F9F]  }
0x1a: {  	s8 =	sadd.s32 $0xFFFFE003, lr  }
0x1b: {  	s9 =	sadd.s32 $0xFFFFFEF7, lr;
	s5 =	simm.s32 $0xFFFFFFFF;
	p2 =	slt.u32 s8, $0xFFFFF086  }
0x1c: {  	p1 =	slt.u32 s9, $0xF7A;
	s5 =	simm.s32 @!p2 $0x0  }
0x1d: {  	s5 =	simm.s32 @p1 $0x1;
	p0 =	seq.s32 s7, s2  }
0x1e: {  	s7 =	smul.u32 @!p0 $0xF7A, s2;
	p2 =	seq.s32 @!p0 s5, $0x0  }
0x1f: {  	s9 =	smul.u32 $0xF7A, s1;
	s8 =	simm.s32 @!p0 $0x1BF5;
	p2 =	por !p2, p0  }
0x20: {  	[sflag:s8] =	ssyncset.s32 @!p0 $0xFFFFF086;
	s6 =	sadd.s32 @!p0 s3, s7;
	s7 =	simm.s32 @!p0 $0x108  }
0x21: {  	s3 =	sadd.s32 s3, s9;
	s6 =	sadd.s32 @!p0 $0x88, s6;
	s7 =	simm.s32 @p2 $0x1082  }
0x22: {  	[simem:s7], [sflag:s8] =	dma.local @!p0 [hbm:s6], $0xF7A  }
0x23: {  	s9 =	sor.u32 $0xD0000000, s2;
	s6 =	simm.s32 $0x108;
	_ =	swait.ge @!p0 [sflag:s8], $0x0  }
0x24: {  	s3 =	sadd.s32 $0x88, s3;
	s6 =	simm.s32 @!p1 $0x1082;
	[sflag:s4] =	ssyncset.s32 $0xFFFFF086  }
0x25: {  	[simem:s6], [sflag:s4] =	dma.local [hbm:s3], $0xF7A  }
0x26: {  	[smem:$0x3F9F] =	sst s1;
	(tag) =	ssettag s2;
	_ =	strace s9  }
0x27: {  	s1 =	sld [smem:$0x3FAF]  }
0x28: {  	s2 =	sld [smem:$0x3FB0]  }
0x29: {  	s4 =	sld [smem:$0x3FB2]  }
0x2a: {  	p0 =	seq.s32 s5, $0x0;
	s5 =	sld [smem:$0x3FB3]  }
0x2b: {  	s6 =	sld [smem:$0x3FB4]  }
0x2c: {  	s7 =	sld [smem:$0x3FB5]  }
0x2d: {  	s3 =	simm.s32 $0x108;
	s8 =	sld [smem:$0x3FB6]  }
0x2e: {  	s3 =	simm.s32 @!p0 $0x1082;
	s9 =	sld [smem:$0x3FB7]  }
0x2f: {  	lr =	sadd.s32 s0, s3;
	s0 =	sld [smem:$0x3FAE]  }
0x30: {  	s3 =	sld [smem:$0x3FB1]  }
0x31: {  	[smem:$0x3FBA] =	sst s10  }
0x32: {  	s10 =	sld [smem:$0x3FB8];
	_ =	sdelay $0x3  }
0x33: {  	p0 =	seq.s32 s10, $0x1;
	s10 =	sld [smem:$0x3FBA];
	_ =	sdelay $0x3  }
0x34: {  	[smem:$0x3FBA] =	sst s10  }
0x35: {  	s10 =	sld [smem:$0x3FB9];
	_ =	sdelay $0x3  }
0x36: {  	p1 =	seq.s32 s10, $0x1;
	s10 =	sld [smem:$0x3FBA];
	_ =	sdelay $0x3  }
0x37: {  	[smem:$0x3FBA] =	sst s10  }
0x38: {  	s10 =	sld [smem:$0x3FBB]  }
0x39: {  	_ = 	snop;
	(pc) =	sbr.ind lr, $3  }
0x3a: {  	_ = 	snop  }
0x3b: {  	_ = 	snop  }
0x3c: {  	p2 =	seq.s32 s10, $0x1;
	s10 =	sld [smem:$0x3FBA]  }
0x3d: {  	_ =	shalt  }
0x3e: {  	_ =	shalt  }
0x3f: {  	_ =	shalt  }
0x40: {  	_ =	shalt  }
0x41: {  	_ =	shalt  }
0x42: {  	_ =	shalt  }
0x43: {  	_ =	shalt  }
0x44: {  	_ =	shalt  }
0x45: {  	_ =	shalt  }
0x46: {  	_ =	shalt  }
0x47: {  	_ =	shalt  }
0x48: {  	_ =	shalt  }
0x49: {  	_ =	shalt  }
0x4a: {  	_ =	shalt  }
0x4b: {  	_ =	shalt  }
0x4c: {  	_ =	shalt  }
0x4d: {  	_ =	shalt  }
0x4e: {  	_ =	shalt  }
0x4f: {  	_ =	shalt  }
0x50: {  	_ =	shalt  }
0x51: {  	_ =	shalt  }
0x52: {  	_ =	shalt  }
0x53: {  	_ =	shalt  }
0x54: {  	_ =	shalt  }
0x55: {  	_ =	shalt  }
0x56: {  	_ =	shalt  }
0x57: {  	_ =	shalt  }
0x58: {  	_ =	shalt  }
0x59: {  	_ =	shalt  }
0x5a: {  	_ =	shalt  }
0x5b: {  	_ =	shalt  }
0x5c: {  	_ =	shalt  }
0x5d: {  	_ =	shalt  }
0x5e: {  	_ =	shalt  }
0x5f: {  	_ =	shalt  }
0x60: {  	_ =	shalt  }
0x61: {  	_ =	shalt  }
0x62: {  	_ =	shalt  }
0x63: {  	_ =	shalt  }
0x64: {  	_ =	shalt  }
0x65: {  	_ =	shalt  }
0x66: {  	_ =	shalt  }
0x67: {  	_ =	shalt  }
0x68: {  	_ =	shalt  }
0x69: {  	_ =	shalt  }
0x6a: {  	_ =	shalt  }
0x6b: {  	_ =	shalt  }
0x6c: {  	_ =	shalt  }
0x6d: {  	_ =	shalt  }
0x6e: {  	_ =	shalt  }
0x6f: {  	_ =	shalt  }
0x70: {  	_ =	shalt  }
0x71: {  	_ =	shalt  }
0x72: {  	_ =	shalt  }
0x73: {  	_ =	shalt  }
0x74: {  	_ =	shalt  }
0x75: {  	_ =	shalt  }
0x76: {  	_ =	shalt  }
0x77: {  	_ =	shalt  }
0x78: {  	_ =	shalt  }
0x79: {  	_ =	shalt  }
0x7a: {  	_ =	shalt  }
0x7b: {  	_ =	shalt  }
0x7c: {  	_ =	shalt  }
0x7d: {  	_ =	shalt  }
0x7e: {  	_ =	shalt  }
0x7f: {  	_ =	shalt  }
0x80: {  	_ =	shalt  }
0x81: {  	_ =	shalt  }
0x82: {  	_ =	shalt  }
0x83: {  	_ =	shalt  }
0x84: {  	_ =	shalt  }
0x85: {  	_ =	shalt  }
0x86: {  	_ =	shalt  }
0x87: {  	_ =	shalt  }
.Lfunc_end0:
.L_simem_size_0:
called_computation_lowered:
.L_overlay_start_0:
0x88: {  	s2 =	sld [smem:$0x3FD9]  }
0x89: {  	s3 =	sld [smem:$0x3FFE];
	_ =	sdelay $0x1  }
0x8a: {  	s1 =	srdreg.scid  }
0x8b: {  	s0 =	sand.u32 $0x1, s1  }
0x8c: {  	s18 =	sshll.u32 s0, $0xA;
	s2 =	sadd.s32 s3, s2  }
0x8d: {  	s2 =	sadd.s32 s2, s18  }
0x8e: {  	[smem:$0x3FC6] =	sst s2  }
0x8f: {  	_ = 	snop  }
0x90: {  	s2 =	sld [smem:$0x3FC9]  }
0x91: {  	s19 =	sld [smem:$0x3FC8]  }
0x92: {  	s4 =	sld [smem:$0x3FD0];
	(tm) =	ssettm $0x1  }
0x93: {  	s5 =	sld [smem:$0x3FFB];
	_ =	sdelay $0x3  }
0x94: {  	_ =	strace s5  }
0x95: {  	s5 =	sld [smem:$0x3FFC];
	_ =	sdelay $0x3  }
0x96: {  	_ =	strace s5  }
0x97: {  	s5 =	sld [smem:$0x3FFD];
	_ =	sdelay $0x3  }
0x98: {  	_ =	strace s5  }
0x99: {  	_ =	strace $0x8FFFFFFF  }
0x9a: {  	s20 =	sld [smem:$0x3FDB];
	_ =	sdelay $0x1  }
0x9b: {  	s6 =	simm.s32 $_scs_section_size  }
0x9c: {  	s7 =	simm.s32 $_size__tile_overlayer_lowered;
	s8 =	simm.s32 $_tile_overlayer_lowered  }
0x9d: {  	s23 =	simm.s32 $0x1BFF;
	s22 =	sshll.u32 s8, $0x1;
	s5 =	sadd.s32 s6, s20  }
0x9e: {  	s9 =	simm.s32 $0x0;
	s21 =	sshll.u32 s7, $0x1;
	s7 =	sadd.s32 s22, s5  }
0x9f: {  	[timem:s9], [sflag:s23] =	dma.local [hbm:s7], s21  }
0xa0: {  	_ =	swait.ge [sflag:s23], s21  }
0xa1: {  	s6 =	ssub.s32 $0x0, s21;
	[sflag:s23] =	ssyncset.done $0x0  }
0xa2: {  	[sflag:s23] =	ssyncadd.s32 s6;
	_ =	sdelay $0x1  }
0xa3: {  	s24 =	simm.s32 $0x1B8B  }
0xa4: {  	_ =	swait.ge [sflag:s24], $0x1  }
0xa5: {  	[sflag:s24] =	ssyncset.done $0x0  }
0xa6: {  	s25 =	simm.s32 $0x1B8E;
	[sflag:s24] =	ssyncadd.s32 $0xFFFFFFFF  }
0xa7: {  	s26 =	simm.s32 $execute0_lowered;
	[smem:$0x3FD2] =	sst s25  }
0xa8: {  	s6 =	sshll.u32 s26, $0x1;
	_ =	strace $0x80000046;
	[dreg:$0x1] =	wrdreg $0xFFFFFFFF  }
0xa9: {  	s28 =	simm.s32 $_size_execute0_lowered;
	s5 =	sadd.s32 s5, s6;
	[dreg:$0x0] =	wrdreg $0x0  }
0xaa: {  	s6 =	sshll.u32 s28, $0x1;
	[dreg:$0x2] =	wrdreg s5  }
0xab: {  	[dreg:$0x3] =	wrdreg s6  }
0xac: {  	[dreg:$0x4] =	wrdreg $0xC0  }
0xad: {  	_ =	task [dreg:s9], $0x5FFFF  }
0xae: {  	[dreg:$0x1] =	wrdreg $0xFFFFFFFF  }
0xaf: {  	[dreg:$0x0] =	wrdreg $0x60  }
0xb0: {  	[dreg:$0x2] =	wrdreg s2  }
0xb1: {  	[dreg:$0x3] =	wrdreg s19  }
0xb2: {  	[dreg:$0x4] =	wrdreg s4  }
0xb3: {  	[dreg:$0x5] =	wrdreg $0x125000  }
0xb4: {  	[dreg:$0x6] =	wrdreg $0x9  }
0xb5: {  	_ =	task.clear_ibuf [dreg:s9], $0x7FFFF;
	_ =	strace $0x90000046  }
0xb6: {  	s29 =	simm.s32 $0x9;
	_ =	strace $0x80000048  }
0xb7: {  	_ =	swait.ge [sflag:s29], $0x1  }
0xb8: {  	[sflag:s29] =	ssyncadd.s32 $0xFFFFFFFF  }
0xb9: {  	_ =	strace $0x90000048  }
0xba: {  	_ =	sfence  }
0xbb: {  	s30 =	sld [smem:$0x0];
	_ =	sdelay $0x2  }
0xbc: {  	s31 =	sshll.u32 s1, $0xD;
	s1 =	sshrl.u32 s1, $0x2  }
0xbd: {  	s3 =	sand.u32 $0x4000, s31;
	s1 =	sadd.s32 s1, s30  }
0xbe: {  	s0 =	sor.u32 s3, s0;
	s1 =	sshll.u32 s1, $0x11  }
0xbf: {  	s0 =	sor.u32 s1, s0  }
0xc0: {  	s0 =	sadd.s32 $0x8F2B, s0  }
0xc1: {  	[sflag:s0] =	ssyncadd.remote.s32 $0x1  }
0xc2: {  	_ =	sfence.sel $0xFFFF  }
0xc3: {  	[dreg:$0x0] =	wrdreg $0xFFFFFFFF;
	(pc) =	sbr.abs _section_cstart, $3  }
0xc4: {  	[dreg:$0x1] =	wrdreg $0xFFFFFFFF  }
0xc5: {  	_ =	task.clear_ibuf [dreg:s9], $0x2FFFF;
	_ =	strace $0x9FFFFFFF  }
0xc6: {  	(tm) =	ssettm $0x7FFFFFFF  }
0xc7: {  	_ =	shalt  }
tec
execute0_lowered:
.L_overlay_start_1:
0x0: {  	(tag) =	ssettag $0x1  }
0x1: {  	s1 =	rddreg [dreg:$0x0]  }
0x2: {  	s0 =	rddreg [dreg:$0x2]  }
0x3: {  	s2 =	srdreg.scid;
	s4 =	rddreg [dreg:$0x3]  }
0x4: {  	s3 =	simm.s32 $0x0;
	s14 =	stileid.u32;
	s11 =	simm.s32 $0x5  }
0x5: {  	s12 =	simm.s32 $0x1000;
	s13 =	simm.s32 $0x2000;
	s15 =	simm.s32 $0x80  }
0x6: {  	s16 =	simm.s32 $0x400;
	s18 =	simm.s32 $0x12100;
	s20 =	simm.s32 $0x0  }
0x7: {  	s2 =	sand.u32 $0x1, s2;
	[smem:$0x7FF] =	sst s3;
	s31 =	sshll.u32 s14, $0x9  }
0x8: {  	s7 =	sshll.u32 s14, $0xD;
	s8 =	sshll.u32 s14, $0x7;
	s5 =	ssub.s32 $0x2, s2  }
0x9: {  	_ =	strace $0x80000047;
	s30 =	sshll.u32 s2, $0x6;
	s6 =	sshrl.u32 s5, $0x1  }
0xa: {  	s10 =	sand.u32 $0x380, s8;
	s0 =	sadd.s32 s0, s30;
	s9 =	ssub.s32 s5, s6  }
0xb: {  	s5 =	sshll.u32 s2, $0xC;
	s2 =	sand.u32 $0x1000, s31;
	s0 =	sadd.s32 s8, s0  }
0xc: {  	s2 =	sadd.s32 s2, s4;
	s4 =	sadd.s32 s7, s4;
	[dreg:$0x7] =	wrdreg s0  }
0xd: {  	v1 =	vlaneseq.u32;
	v0 =	vmov s14;
	s9 =	smax.u32 s9, $0x1;
	[dreg:$0x6] =	wrdreg s4;
	s7 =	sadd.s32 s10, s2  }
.LBB2_1:
0xe: {  	s0 =	rddreg [dreg:$0x1];
	s2 =	simm.s32 $0x12000  }
0xf: {  	[tilespmem:s2], [sflag:$0x5] =	stream.linear.gather [hbm4b:s0+s3], $0x80, $0x38;
	[tilespmem:$0x14500] =	vst v63  }
0x10: {  	_ =	swait.ge [sflag:s11], $0x80  }
0x11: {  	[sflag:s11] =	ssyncset.done $0x0  }
0x12: {  	[sflag:s11] =	ssyncadd.s32 $0xFFFFFF80  }
0x13: {  	v2 =	vld [tilespmem:$0x12000];
	_ =	sdelay $0x4  }
0x14: {  	(xrf0) =	vadd.scan.msk.s32 $0xffff, v2;
	_ =	sdelay $0x5  }
0x15: {  	v3, _, _ =	vpop (xrf0)  }
0x16: {  	(v2sf) =	vpush v3, $0xF;
	_ =	sdelay $0xe  }
0x17: {  	s21 =	spop (v2sf)  }
0x18: {  	v4 =	vcvt.s32.f32 v2;
	s28 =	sadd.s32 $0xF, s21  }
0x19: {  	s29 =	sand.u32 $0xF, s28  }
0x1a: {  	(erf) = vrcp.f32 v4;
	s30 =	sshra.s32 s28, $0x1F;
	p1 =	slt.s32 s28, $0x1;
	p0 =	sne.s32 s29, $0x0  }
0x1b: {  	s2 =	sshrl.u32 s30, $0x1C;
	p0 =	por !p1, !p0  }
0x1c: {  	s0 =	sadd.s32 s2, s28;
	s2 =	simm.s32 $0x1;
	p0 =	por !p0, !p0  }
0x1d: {  	s0 =	sshra.s32 s0, $0x4;
	s2 =	simm.s32 @!p0 $0x0  }
0x1e: {  	s31 =	stileid.u32;
	s0 =	ssub.s32 s0, s2  }
0x1f: {  	s22 =	smul.u32 s31, s0  }
.Ltmp0:
0x20: {  	_ = 	snop;
	(pc) =	sbr.rel .LBB2_2-.Ltmp0, $4  }
0x21: {  	_ = 	snop  }
0x22: {  	s0 =	sadd.s32 s0, s22  }
0x23: {  	v4 =	vpop (erf);
	p0 =	slt.s32 s0, s21  }
0x24: {  	s23 =	simm.s32 $0x0;
	v3 =	vsub.s32 v3, v2;
	[tilespmem:$0x12080] =	vst v4;
	s21 =	smov.u32 @p0 s0  }
.LBB2_3:
0x25: {  	v35 =	vimm.f32 $0.0e+00;
	v34 =	vimm.f32 $0.0e+00  }
0x26: {  	v33 =	vimm.f32 $0.0e+00;
	v32 =	vimm.f32 $0.0e+00;
	v31 =	vimm.f32 $0.0e+00  }
0x27: {  	v30 =	vimm.f32 $0.0e+00;
	v29 =	vimm.f32 $0.0e+00;
	v28 =	vimm.f32 $0.0e+00  }
0x28: {  	v27 =	vimm.f32 $0.0e+00;
	v26 =	vimm.f32 $0.0e+00;
	v25 =	vimm.f32 $0.0e+00  }
0x29: {  	v24 =	vimm.f32 $0.0e+00;
	v23 =	vimm.f32 $0.0e+00;
	v22 =	vimm.f32 $0.0e+00  }
0x2a: {  	v21 =	vimm.f32 $0.0e+00;
	v20 =	vimm.f32 $0.0e+00;
	v19 =	vimm.f32 $0.0e+00  }
0x2b: {  	v18 =	vimm.f32 $0.0e+00;
	v17 =	vimm.f32 $0.0e+00;
	v16 =	vimm.f32 $0.0e+00  }
0x2c: {  	v15 =	vimm.f32 $0.0e+00;
	v14 =	vimm.f32 $0.0e+00;
	v13 =	vimm.f32 $0.0e+00  }
0x2d: {  	v12 =	vimm.f32 $0.0e+00;
	v11 =	vimm.f32 $0.0e+00;
	v10 =	vimm.f32 $0.0e+00  }
0x2e: {  	v9 =	vimm.f32 $0.0e+00;
	v8 =	vimm.f32 $0.0e+00;
	v7 =	vimm.f32 $0.0e+00  }
0x2f: {  	v6 =	vimm.f32 $0.0e+00;
	v5 =	vimm.f32 $0.0e+00;
	v4 =	vimm.f32 $0.0e+00  }
.LBB2_10:
0x30: {  	s0 =	sshll.u32 s23, $0x9;
	s2 =	sshll.u32 s23, $0x7  }
0x31: {  	s0 =	sand.u32 $0x1000, s0;
	s2 =	sand.u32 $0x380, s2  }
0x32: {  	s0 =	sor.u32 s2, s0  }
0x33: {  	[tilespmem:s0+$0x10000] =	vst v35  }
0x34: {  	[tilespmem:s0+$0x10010] =	vst v34  }
0x35: {  	[tilespmem:s0+$0x10020] =	vst v33  }
0x36: {  	[tilespmem:s0+$0x10030] =	vst v32  }
0x37: {  	[tilespmem:s0+$0x10040] =	vst v31  }
0x38: {  	[tilespmem:s0+$0x10050] =	vst v30  }
0x39: {  	[tilespmem:s0+$0x10060] =	vst v29  }
0x3a: {  	[tilespmem:s0+$0x10070] =	vst v28  }
0x3b: {  	[tilespmem:s0+$0x10400] =	vst v27  }
0x3c: {  	[tilespmem:s0+$0x10410] =	vst v26  }
0x3d: {  	[tilespmem:s0+$0x10420] =	vst v25  }
0x3e: {  	[tilespmem:s0+$0x10430] =	vst v24  }
0x3f: {  	[tilespmem:s0+$0x10440] =	vst v23  }
0x40: {  	[tilespmem:s0+$0x10450] =	vst v22  }
0x41: {  	[tilespmem:s0+$0x10460] =	vst v21  }
0x42: {  	[tilespmem:s0+$0x10470] =	vst v20  }
0x43: {  	[tilespmem:s0+$0x10800] =	vst v19  }
0x44: {  	[tilespmem:s0+$0x10810] =	vst v18  }
0x45: {  	[tilespmem:s0+$0x10820] =	vst v17  }
0x46: {  	[tilespmem:s0+$0x10830] =	vst v16  }
0x47: {  	[tilespmem:s0+$0x10840] =	vst v15  }
0x48: {  	[tilespmem:s0+$0x10850] =	vst v14  }
0x49: {  	[tilespmem:s0+$0x10860] =	vst v13  }
0x4a: {  	[tilespmem:s0+$0x10870] =	vst v12  }
0x4b: {  	[tilespmem:s0+$0x10C00] =	vst v11  }
0x4c: {  	s23 =	sadd.s32 $0x1, s23;
	[tilespmem:s0+$0x10C10] =	vst v10  }
0x4d: {  	p0 =	sne.s32 s23, $0x10;
	[tilespmem:s0+$0x10C20] =	vst v9  }
.Ltmp1:
0x4e: {  	[tilespmem:s0+$0x10C30] =	vst v8;
	(pc) =	sbr.rel @!p0 .LBB2_11-.Ltmp1, $4  }
0x4f: {  	[tilespmem:s0+$0x10C40] =	vst v7  }
0x50: {  	[tilespmem:s0+$0x10C50] =	vst v6  }
0x51: {  	[tilespmem:s0+$0x10C60] =	vst v5  }
0x52: {  	[tilespmem:s0+$0x10C70] =	vst v4  }
.LBB2_2:
0x53: {  	v4 =	vmov s23  }
0x54: {  	vm0 =	veq.s32 v4, v1  }
0x55: {  	v4 =	vnsel vm0, $0x0, v3  }
0x56: {  	(xrf0) =	vadd.scan.msk.s32 $0xffff, v4;
	_ =	sdelay $0x5  }
0x57: {  	v4, _, _ =	vpop (xrf0)  }
0x58: {  	(v2sf) =	vpush v4, $0xF  }
0x59: {  	v4 =	vnsel vm0, $0x0, v2  }
0x5a: {  	(xrf0) =	vadd.scan.msk.s32 $0xffff, v4;
	_ =	sdelay $0x5  }
0x5b: {  	v4, _, _ =	vpop (xrf0)  }
0x5c: {  	(v2sf) =	vpush v4, $0xF;
	_ =	sdelay $0x5  }
0x5d: {  	s0 =	spop (v2sf)  }
0x5e: {  	s24 =	ssub.s32 s22, s0  }
0x5f: {  	p0 =	sgt.s32 s24, $0x0  }
0x60: {  	p1 =	slt.s32 s24, $0x1;
	s24 =	simm.s32 @!p0 $0x0  }
0x61: {  	s2 =	sand.u32 $0x7, s24  }
0x62: {  	p4 =	sne.s32 s2, $0x0  }
0x63: {  	p0 =	por !p1, !p4  }
0x64: {  	s2 =	simm.s32 $0xFFFFFFFF;
	p0 =	por !p0, !p0  }
0x65: {  	s2 =	simm.s32 @!p0 $0x0  }
0x66: {  	s4 =	ssub.s32 s21, s0;
	s25 =	spop (v2sf);
	s26 =	sshll.u32 s2, $0x3  }
0x67: {  	p0 =	slt.s32 s4, s25;
	s0 =	sadd.s32 s24, s26  }
0x68: {  	s25 =	smov.u32 @p0 s4;
	s26 =	sand.u32 $0xFFFFFFF8, s0  }
0x69: {  	s29 =	ssub.s32 s25, s26  }
0x6a: {  	p0 =	sgt.s32 s25, s24;
	s2 =	sadd.s32 $0x1F, s29  }
0x6b: {  	s2 =	simm.s32 @!p0 $0x1F  }
0x6c: {  	s30 =	sand.u32 $0x1F, s2  }
0x6d: {  	s31 =	sshra.s32 s2, $0x1F;
	p6 =	slt.s32 s2, $0x1;
	p5 =	sne.s32 s30, $0x0  }
0x6e: {  	s4 =	sshrl.u32 s31, $0x1B;
	p0 =	por !p6, !p5  }
0x6f: {  	s2 =	sadd.s32 s4, s2;
	s4 =	simm.s32 $0x1;
	p0 =	por !p0, !p0  }
0x70: {  	s2 =	sshra.s32 s2, $0x5;
	s4 =	simm.s32 @!p0 $0x0  }
0x71: {  	s28 =	ssub.s32 s2, s4  }
0x72: {  	p0 =	slt.s32 s28, $0x1  }
.Ltmp2:
0x73: {  	_ = 	snop;
	(pc) =	sbr.rel @p0 .LBB2_3-.Ltmp2, $1  }
0x74: {  	_ =	sdelay $0x3  }
0x75: {  	s29 =	sshll.u32 s0, $0xA  }
0x76: {  	s0 =	sshll.u32 s23, $0x16;
	s2 =	sand.u32 $0x7FFFE000, s29  }
0x77: {  	s2 =	sadd.s32 s0, s2  }
0x78: {  	s2 =	sor.u32 s5, s2  }
0x79: {  	s2 =	sshrl.u32 s2, $0x3  }
0x7a: {  	p0 =	seq.s32 s28, $0x1;
	s2 =	sadd.s32 s1, s2  }
0x7b: {  	[tilespmem:s3], [sflag:$0x1] =	stream.strided.gather [hbm4b:s2+s12], $0x4000, s13, s12, $0x38;
	[tilespmem:$0x14500] =	vst v63  }
0x7c: {  	s4 =	sor.u32 @!p0 s0, s5;
	s2 =	sand.u32 @!p0 $0xFFFFE000, s29  }
0x7d: {  	v4 =	vimm.f32 $0.0e+00;
	v5 =	vimm.f32 $0.0e+00;
	s10 =	sadd.s32 @!p0 s4, s2  }
0x7e: {  	v6 =	vimm.f32 $0.0e+00;
	v7 =	vimm.f32 $0.0e+00;
	v8 =	vimm.f32 $0.0e+00;
	s10 =	sadd.s32 @!p0 $0x8000, s10  }
0x7f: {  	v9 =	vimm.f32 $0.0e+00;
	v10 =	vimm.f32 $0.0e+00;
	v11 =	vimm.f32 $0.0e+00;
	s14 =	simm.s32 @!p0 $0x1000;
	s19 =	simm.s32 @!p0 $0x2000;
	s10 =	sshrl.u32 @!p0 s10, $0x3  }
0x80: {  	v12 =	vimm.f32 $0.0e+00;
	v13 =	vimm.f32 $0.0e+00;
	v14 =	vimm.f32 $0.0e+00;
	s30 =	simm.s32 @!p0 $0x4000;
	p1 =	slt.u32 @!p0 s28, $0x3;
	s10 =	sadd.s32 @!p0 s1, s10  }
0x81: {  	v15 =	vimm.f32 $0.0e+00;
	v16 =	vimm.f32 $0.0e+00;
	v17 =	vimm.f32 $0.0e+00;
	[tilespmem:s30], [sflag:$0x2] =	stream.strided.gather @!p0 [hbm4b:s10+s14], $0x4000, s19, s14, $0x38;
	[tilespmem:$0x14500] =	vst v63  }
0x82: {  	v18 =	vimm.f32 $0.0e+00;
	v19 =	vimm.f32 $0.0e+00;
	v20 =	vimm.f32 $0.0e+00;
	p0 =	por p1, p0  }
.Ltmp3:
0x83: {  	v21 =	vimm.f32 $0.0e+00;
	v22 =	vimm.f32 $0.0e+00;
	v23 =	vimm.f32 $0.0e+00;
	s2 =	sadd.s32 @!p0 s4, s2;
	(pc) =	sbr.rel .LBB2_5-.Ltmp3, $4  }
0x84: {  	v24 =	vimm.f32 $0.0e+00;
	v25 =	vimm.f32 $0.0e+00;
	v26 =	vimm.f32 $0.0e+00;
	s31 =	ssub.s32 s24, s26;
	s30 =	sor.u32 s5, s0;
	s2 =	sadd.s32 @!p0 $0x10000, s2  }
0x85: {  	v27 =	vimm.f32 $0.0e+00;
	v28 =	vimm.f32 $0.0e+00;
	v29 =	vimm.f32 $0.0e+00;
	s0 =	simm.s32 $0x0;
	s4 =	simm.s32 @!p0 $0x1000;
	s2 =	sshrl.u32 @!p0 s2, $0x3  }
0x86: {  	v30 =	vimm.f32 $0.0e+00;
	v31 =	vimm.f32 $0.0e+00;
	v32 =	vimm.f32 $0.0e+00;
	s10 =	simm.s32 @!p0 $0x2000;
	s14 =	simm.s32 @!p0 $0x8000;
	s2 =	sadd.s32 @!p0 s1, s2  }
0x87: {  	v33 =	vimm.f32 $0.0e+00;
	v34 =	vimm.f32 $0.0e+00;
	v35 =	vimm.f32 $0.0e+00;
	[tilespmem:s14], [sflag:$0x3] =	stream.strided.gather @!p0 [hbm4b:s2+s4], $0x4000, s10, s4, $0x38;
	[tilespmem:$0x14500] =	vst v63  }
.LBB2_8:
0x88: {  	v41 =	vld [tilespmem:s14+$0xC20]  }
0x89: {  	v42 =	vld [tilespmem:s14+$0xC30]  }
0x8a: {  	v43 =	vld [tilespmem:s14+$0xC40]  }
0x8b: {  	v44 =	vld [tilespmem:s14+$0xC50]  }
0x8c: {  	v45 =	vld [tilespmem:s14+$0xC60]  }
0x8d: {  	v14 =	vadd.f32 v36, v14;
	v13 =	vadd.f32 v37, v13  }
0x8e: {  	v12 =	vadd.f32 v38, v12;
	v11 =	vadd.f32 v39, v11  }
0x8f: {  	v10 =	vadd.f32 v40, v10;
	v9 =	vadd.f32 v41, v9  }
0x90: {  	v8 =	vadd.f32 v42, v8;
	v7 =	vadd.f32 v43, v7  }
0x91: {  	v6 =	vadd.f32 v44, v6;
	v5 =	vadd.f32 v45, v5  }
.LBB2_9:
0x92: {  	s0 =	sadd.s32 $0x1, s0  }
0x93: {  	p0 =	sne.s32 s0, s28  }
.Ltmp4:
0x94: {  	_ = 	snop;
	(pc) =	sbr.rel @!p0 .LBB2_10-.Ltmp4, $2  }
0x95: {  	_ =	sdelay $0x2  }
0x96: {  	s31 =	sadd.s32 $0xFFFFFFE0, s31  }
.LBB2_5:
0x97: {  	s2 =	sadd.s32 $0x3, s0  }
0x98: {  	p0 =	sge.s32 s2, s28  }
0x99: {  	s4 =	sshll.u32 @!p0 s2, $0xF  }
0x9a: {  	s4 =	sadd.s32 @!p0 s29, s4  }
0x9b: {  	s4 =	sand.u32 @!p0 $0xFFFFE000, s4  }
0x9c: {  	s17 =	sshll.u32 s0, $0x5;
	s2 =	sand.u32 @!p0 $0x3, s2;
	s4 =	sadd.s32 @!p0 s30, s4  }
0x9d: {  	s14 =	simm.s32 @!p0 $0x1000;
	s19 =	simm.s32 @!p0 $0x2000;
	s4 =	sshrl.u32 @!p0 s4, $0x3  }
0x9e: {  	s10 =	sshll.u32 @!p0 s2, $0xE;
	s2 =	sadd.s32 @!p0 $0x1, s2;
	s4 =	sadd.s32 @!p0 s1, s4  }
0x9f: {  	[tilespmem:s10], [sflag:s2] =	stream.strided.gather @!p0 [hbm4b:s4+s14], $0x4000, s19, s14, $0x38;
	[tilespmem:$0x14500] =	vst v63  }
0xa0: {  	s2 =	sadd.s32 s26, s17  }
0xa1: {  	s4 =	ssub.s32 s24, s2;
	s2 =	ssub.s32 s25, s2  }
0xa2: {  	p0 =	sgt.s32 s4, $0x0;
	p1 =	slt.s32 s2, $0x20  }
0xa3: {  	s4 =	simm.s32 @!p0 $0x0;
	s2 =	simm.s32 @!p1 $0x20  }
0xa4: {  	p0 =	sge.s32 s4, s2  }
.Ltmp5:
0xa5: {  	s10 =	sand.u32 $0x3, s0;
	(pc) =	sbr.rel @p0 .LBB2_9-.Ltmp5, $4  }
0xa6: {  	s19 =	sadd.s32 $0x1, s10  }
0xa7: {  	_ =	swait.ge [sflag:s19], $0x4000  }
0xa8: {  	[sflag:s19] =	ssyncset.done $0x0  }
0xa9: {  	[sflag:s19] =	ssyncadd.s32 $0xFFFFC000  }
0xaa: {  	p0 =	sgt.s32 s31, $0x0;
	s14 =	smov.u32 s31  }
0xab: {  	s10 =	sshll.u32 s10, $0xE;
	s14 =	simm.s32 @!p0 $0x0  }
0xac: {  	[dreg:$0x5] =	wrdreg s10;
	s10 =	sshll.u32 s14, $0x9  }
0xad: {  	s6 =	rddreg [dreg:$0x5];
	s19 =	sshll.u32 s14, $0x7;
	s17 =	sand.u32 $0x7FFFF000, s10  }
0xae: {  	s8 =	sand.u32 $0x380, s19;
	s6 =	sadd.s32 s17, s6  }
0xaf: {  	s14 =	sadd.s32 s8, s6  }
0xb0: {  	v36 =	vld [tilespmem:s14+$0xC70]  }
0xb1: {  	v37 =	vld [tilespmem:s14+$0x0]  }
0xb2: {  	v38 =	vld [tilespmem:s14+$0x10]  }
0xb3: {  	v39 =	vld [tilespmem:s14+$0x20]  }
0xb4: {  	v40 =	vld [tilespmem:s14+$0x30]  }
0xb5: {  	v41 =	vld [tilespmem:s14+$0x40]  }
0xb6: {  	v42 =	vld [tilespmem:s14+$0x50]  }
0xb7: {  	v43 =	vld [tilespmem:s14+$0x60]  }
0xb8: {  	v44 =	vld [tilespmem:s14+$0x70]  }
0xb9: {  	v45 =	vld [tilespmem:s14+$0x400]  }
0xba: {  	v46 =	vld [tilespmem:s14+$0x410]  }
0xbb: {  	v47 =	vld [tilespmem:s14+$0x420]  }
0xbc: {  	v48 =	vld [tilespmem:s14+$0x430]  }
0xbd: {  	v49 =	vld [tilespmem:s14+$0x440]  }
0xbe: {  	v50 =	vld [tilespmem:s14+$0x450]  }
0xbf: {  	v51 =	vld [tilespmem:s14+$0x460]  }
0xc0: {  	v52 =	vld [tilespmem:s14+$0x470];
	v4 =	vadd.f32 v36, v4;
	v35 =	vadd.f32 v37, v35  }
0xc1: {  	v59 =	vld [tilespmem:s14+$0x800];
	v34 =	vadd.f32 v38, v34;
	v33 =	vadd.f32 v39, v33  }
0xc2: {  	v60 =	vld [tilespmem:s14+$0x810];
	v32 =	vadd.f32 v40, v32;
	v31 =	vadd.f32 v41, v31  }
0xc3: {  	v61 =	vld [tilespmem:s14+$0x820];
	v30 =	vadd.f32 v42, v30;
	v29 =	vadd.f32 v43, v29  }
0xc4: {  	s4 =	sadd.s32 $0x1, s4;
	v62 =	vld [tilespmem:s14+$0x830];
	v28 =	vadd.f32 v44, v28;
	v27 =	vadd.f32 v45, v27  }
0xc5: {  	p0 =	slt.s32 s4, s2;
	v63 =	vld [tilespmem:s14+$0x840];
	v26 =	vadd.f32 v46, v26;
	v25 =	vadd.f32 v47, v25  }
.Ltmp6:
0xc6: {  	v24 =	vadd.f32 v48, v24;
	v23 =	vadd.f32 v49, v23;
	v36 =	vld [tilespmem:s14+$0x850];
	(pc) =	sbr.rel @!p0 .LBB2_8-.Ltmp6, $4  }
0xc7: {  	v22 =	vadd.f32 v50, v22;
	v21 =	vadd.f32 v51, v21;
	v37 =	vld [tilespmem:s14+$0x860]  }
0xc8: {  	v20 =	vadd.f32 v52, v20;
	v19 =	vadd.f32 v59, v19;
	v38 =	vld [tilespmem:s14+$0x870]  }
0xc9: {  	v18 =	vadd.f32 v60, v18;
	v17 =	vadd.f32 v61, v17;
	v39 =	vld [tilespmem:s14+$0xC00]  }
0xca: {  	v16 =	vadd.f32 v62, v16;
	v15 =	vadd.f32 v63, v15;
	v40 =	vld [tilespmem:s14+$0xC10]  }
.LBB2_7:
0xcb: {  	v58 =	vld [tilespmem:s14+$0xC20]  }
0xcc: {  	v59 =	vld [tilespmem:s14+$0xC30];
	s10 =	sadd.s32 $0x200, s10  }
0xcd: {  	s6 =	rddreg [dreg:$0x5];
	v60 =	vld [tilespmem:s14+$0xC40];
	s19 =	sadd.s32 $0x80, s19;
	s8 =	sand.u32 $0x7FFFF000, s10  }
0xce: {  	v61 =	vld [tilespmem:s14+$0xC50];
	s17 =	sand.u32 $0x380, s19;
	s6 =	sadd.s32 s8, s6  }
0xcf: {  	v62 =	vld [tilespmem:s14+$0xC60];
	s14 =	sadd.s32 s17, s6  }
0xd0: {  	v41 =	vld [tilespmem:s14+$0xC70]  }
0xd1: {  	v63 =	vld [tilespmem:s14+$0x0]  }
0xd2: {  	v44 =	vld [tilespmem:s14+$0x10]  }
0xd3: {  	v45 =	vld [tilespmem:s14+$0x20]  }
0xd4: {  	v46 =	vld [tilespmem:s14+$0x30]  }
0xd5: {  	v47 =	vld [tilespmem:s14+$0x40]  }
0xd6: {  	v48 =	vld [tilespmem:s14+$0x50]  }
0xd7: {  	v49 =	vld [tilespmem:s14+$0x60]  }
0xd8: {  	v50 =	vld [tilespmem:s14+$0x70]  }
0xd9: {  	v51 =	vld [tilespmem:s14+$0x400]  }
0xda: {  	v52 =	vld [tilespmem:s14+$0x410]  }
0xdb: {  	v14 =	vadd.f32 v36, v14;
	v13 =	vadd.f32 v37, v13;
	v53 =	vld [tilespmem:s14+$0x420]  }
0xdc: {  	v12 =	vadd.f32 v38, v12;
	v11 =	vadd.f32 v39, v11;
	v54 =	vld [tilespmem:s14+$0x430]  }
0xdd: {  	v10 =	vadd.f32 v40, v10;
	v55 =	vld [tilespmem:s14+$0x440];
	v9 =	vadd.f32 v58, v9  }
0xde: {  	v56 =	vld [tilespmem:s14+$0x450];
	v8 =	vadd.f32 v59, v8;
	v7 =	vadd.f32 v60, v7  }
0xdf: {  	v57 =	vld [tilespmem:s14+$0x460];
	v6 =	vadd.f32 v61, v6;
	v5 =	vadd.f32 v62, v5  }
0xe0: {  	v58 =	vld [tilespmem:s14+$0x470];
	v4 =	vadd.f32 v41, v4;
	v35 =	vadd.f32 v63, v35  }
0xe1: {  	v59 =	vld [tilespmem:s14+$0x800];
	v34 =	vadd.f32 v44, v34;
	v33 =	vadd.f32 v45, v33  }
0xe2: {  	v60 =	vld [tilespmem:s14+$0x810];
	v32 =	vadd.f32 v46, v32;
	v31 =	vadd.f32 v47, v31  }
0xe3: {  	v61 =	vld [tilespmem:s14+$0x820];
	v30 =	vadd.f32 v48, v30;
	v29 =	vadd.f32 v49, v29  }
0xe4: {  	s4 =	sadd.s32 $0x1, s4;
	v62 =	vld [tilespmem:s14+$0x830];
	v28 =	vadd.f32 v50, v28;
	v27 =	vadd.f32 v51, v27  }
0xe5: {  	p0 =	slt.s32 s4, s2;
	v26 =	vadd.f32 v52, v26;
	v25 =	vadd.f32 v53, v25;
	v63 =	vld [tilespmem:s14+$0x840]  }
.Ltmp7:
0xe6: {  	v36 =	vld [tilespmem:s14+$0x850];
	v24 =	vadd.f32 v54, v24;
	v23 =	vadd.f32 v55, v23;
	(pc) =	sbr.rel @p0 .LBB2_7-.Ltmp7, $4  }
0xe7: {  	v37 =	vld [tilespmem:s14+$0x860];
	v22 =	vadd.f32 v56, v22;
	v21 =	vadd.f32 v57, v21  }
0xe8: {  	v38 =	vld [tilespmem:s14+$0x870];
	v20 =	vadd.f32 v58, v20;
	v19 =	vadd.f32 v59, v19  }
0xe9: {  	v39 =	vld [tilespmem:s14+$0xC00];
	v18 =	vadd.f32 v60, v18;
	v17 =	vadd.f32 v61, v17  }
0xea: {  	v40 =	vld [tilespmem:s14+$0xC10];
	v16 =	vadd.f32 v62, v16;
	v15 =	vadd.f32 v63, v15  }
.Ltmp8:
0xeb: {  	_ = 	snop;
	(pc) =	sbr.rel .LBB2_8-.Ltmp8, $1  }
0xec: {  	_ =	sdelay $0x3  }
.LBB2_11:
0xed: {  	s0 =	rddreg [dreg:$0x6];
	s2 =	simm.s32 $0x10000  }
0xee: {  	[spmem:s0] =	stream.linear.scatter [tilespmem:s2], [sflag:$0x5], $0x2000, $0x38;
	[tilespmem:$0x14500] =	vst v63  }
0xef: {  	_ =	swait.ge [sflag:s11], $0x2000  }
0xf0: {  	[sflag:s11] =	ssyncset.done $0x0  }
0xf1: {  	[sflag:s11] =	ssyncadd.s32 $0xFFFFE000  }
0xf2: {  	s8 =	simm.s32 $0x12300;
	[bflag:$0x0] =	sbarrier.arrive $0xFFFF  }
0xf3: {  	[tilespmem:s8], [sflag:$0x5] =	stream.strided.gather [spmem:s7], $0x200, s16, s15, $0x38;
	[tilespmem:$0x14500] =	vst v63  }
0xf4: {  	_ =	swait.ge [sflag:s11], $0x200  }
0xf5: {  	[sflag:s11] =	ssyncset.done $0x0  }
0xf6: {  	s0 =	simm.s32 $0x1;
	[sflag:s11] =	ssyncadd.s32 $0xFFFFFE00  }
.LBB2_12:
0xf7: {  	s2 =	sshll.u32 s0, $0xD  }
0xf8: {  	s2 =	sand.u32 $0x3FFFE000, s2  }
0xf9: {  	s2 =	sadd.s32 s2, s7  }
0xfa: {  	[tilespmem:s18], [sflag:$0x5] =	stream.strided.gather [spmem:s2], $0x200, s16, s15, $0x38;
	[tilespmem:$0x14500] =	vst v63  }
0xfb: {  	_ =	swait.ge [sflag:s11], $0x200  }
0xfc: {  	[sflag:s11] =	ssyncset.done $0x0  }
0xfd: {  	s2 =	simm.s32 $0x0;
	[sflag:s11] =	ssyncadd.s32 $0xFFFFFE00  }
0xfe: {  	s4 =	simm.s32 $0x40;
	v2 =	vld [tilespmem:s2+$0x12100]  }
.LBB2_13:
0xff: {  	p0 =	sne.s32 s4, $0x7C0;
	v3 =	vld [tilespmem:s2+$0x12300];
	_ =	sdelay $0x2  }
.Ltmp9:
0x100: {  	(pc) =	sbr.rel @p0 .LBB2_13-.Ltmp9, $4  }
0x101: {  	_ = 	snop  }
0x102: {  	v3 =	vadd.f32 v2, v3  }
0x103: {  	s6 =	sshra.s32 s4, $0x2  }
0x104: {  	s4 =	sadd.s32 $0x40, s4;
	v2 =	vld [tilespmem:s6+$0x12100];
	[tilespmem:s2+$0x12300] =	vst v3;
	s2 =	smov.u32 s6  }
0x105: {  	v3 =	vld [tilespmem:s2+$0x12300]  }
0x106: {  	s0 =	sadd.s32 $0x1, s0  }
0x107: {  	p0 =	sne.s32 s0, $0x10  }
.Ltmp10:
0x108: {  	_ = 	snop;
	(pc) =	sbr.rel @p0 .LBB2_12-.Ltmp10, $3  }
0x109: {  	_ = 	snop  }
0x10a: {  	v2 =	vadd.f32 v2, v3;
	_ =	sdelay $0x1  }
0x10b: {  	[tilespmem:s2+$0x12300] =	vst v2  }
0x10c: {  	_ =	sdelay $0x2  }
0x10d: {  	s0 =	simm.s32 $0x12080  }
0x10e: {  	s2 =	simm.s32 $0x40;
	v2 =	vld.idx.msk [tilespmem:v0+s0+$0x0], $0xffff;
	s0 =	simm.s32 $0x0  }
.LBB2_16:
0x10f: {  	p0 =	sne.s32 s2, $0x7C0;
	v3 =	vld [tilespmem:s0+$0x12300];
	_ =	sdelay $0x2  }
.Ltmp11:
0x110: {  	(pc) =	sbr.rel @p0 .LBB2_16-.Ltmp11, $3  }
0x111: {  	_ = 	snop  }
0x112: {  	v3 =	vmul.f32 v3, v2;
	_ =	sdelay $0x1  }
0x113: {  	[tilespmem:s0+$0x12300] =	vst v3;
	s0 =	sshra.s32 s2, $0x2;
	s2 =	sadd.s32 $0x40, s2  }
0x114: {  	v3 =	vld [tilespmem:s0+$0x12300];
	_ =	sdelay $0x4  }
0x115: {  	s20 =	sadd.s32 $0x1, s20;
	v2 =	vmul.f32 v3, v2  }
0x116: {  	p0 =	sne.s32 s20, s9  }
.Ltmp12:
0x117: {  	s31 =	rddreg [dreg:$0x7];
	[tilespmem:s0+$0x12300] =	vst v2;
	(pc) =	sbr.rel @p0 .LBB2_1-.Ltmp12, $4  }
0x118: {  	[hbm4b:s31+s3] =	stream.linear.scatter [tilespmem:s8], [sflag:$0x5], $0x200, $0x38;
	[tilespmem:$0x14500] =	vst v63  }
0x119: {  	_ =	swait.ge [sflag:s11], $0x200  }
0x11a: {  	[sflag:s11] =	ssyncset.done $0x0  }
0x11b: {  	[sflag:s11] =	ssyncadd.s32 $0xFFFFFE00  }
0x11c: {  	_ =	sfence.sel $0x180000  }
0x11d: {  	[bflag:$0x0] =	sbarrier.arrive $0xFFFF  }
0x11e: {  	_ =	strace $0x90000047  }
0x11f: {  	s0 =	stileid.u32;
	[bflag:$0x2] =	sbarrier.arrive $0xFFFF  }
0x120: {  	p0 =	sne.s32 s0, $0x0;
	s0 =	rddreg [dreg:$0x4]  }
0x121: {  	s0 =	sadd.s32 @!p0 $0x100000, s0  }
0x122: {  	[sflag:s0] =	ssyncadd.tile.s32 @!p0 $0x1;
	_ =	shalt  }
.Lfunc_end2:
_tile_overlayer_lowered:
.L_overlay_start_2:
0x123: {  	(tag) =	ssettag $0x2  }
0x124: {  	s0 =	rddreg [dreg:$0x0];
	s2 =	stileid.u32  }
0x125: {  	s1 =	rddreg [dreg:$0x1];
	p0 =	sne.s32 s2, $0x0  }
0x126: {  	s3 =	rddreg [dreg:$0x2];
	[bflag:$0x3] =	sbarrier.arrive $0xFFFF;
	s2 =	simm.s32 @!p0 $0x1C05  }
0x127: {  	[timem:s3], [sflag:s2] =	dma.local @!p0 [hbm:s0], s1  }
0x128: {  	s0 =	simm.s32 @!p0 $0x5  }
0x129: {  	_ =	swait.ge @!p0 [sflag:s0], s1  }
0x12a: {  	s1 =	ssub.s32 @!p0 $0x0, s1;
	[sflag:s0] =	ssyncset.done @!p0 $0x0  }
0x12b: {  	[sflag:s0] =	ssyncadd.s32 @!p0 s1  }
0x12c: {  	[bflag:$0x3] =	sbarrier.arrive $0xFFFF  }
0x12d: {  	_ =	shalt  }

</sc_bundles>
